<compile_context>
chip_gen: v7x
topology: tpu7x:2x2x1
jax: 0.10.2.dev20260603
libtpu: 0.0.44.dev20260713+nightly
codegen_flags: <defaults>
</compile_context>

<pallas_src>
import functools

import jax
import jax.numpy as jnp
from jax import lax
from jax.experimental import pallas as pl
from jax.experimental.pallas import tpu as pltpu
from jax.experimental.pallas import tpu_sc as plsc

_NC = 2
_NS = 16
_NW = _NC * _NS
_CH = 125
_KC = 16


def _mesh():
    return plsc.VectorSubcoreMesh(
        core_axis_name="c", subcore_axis_name="s",
        num_cores=_NC, num_subcores=_NS)


def _make_hop(n_pad, n_chunks, d):
    rows_per_tile = n_pad // _NS
    n_groups = n_chunks // _KC

    @functools.partial(
        pl.kernel,
        out_type=jax.ShapeDtypeStruct((_NC, n_pad, d), jnp.float32),
        mesh=_mesh(),
        scratch_types=[
            pltpu.VMEM((_KC, _CH), jnp.int32),
            pltpu.VMEM((_KC, _CH), jnp.int32),
            pltpu.VMEM((_CH, d), jnp.float32),
            pltpu.VMEM((_CH, d), jnp.float32),
            pltpu.VMEM_SHARED((n_pad, d), jnp.float32),
            pltpu.SemaphoreType.DMA,
            pltpu.SemaphoreType.DMA,
            pltpu.SemaphoreType.DMA,
            pltpu.SemaphoreType.DMA,
        ],
    )
    def hop(tbl_hbm, src_hbm, dst_hbm, zeros_hbm, out_hbm,
            src_v, dst_v, buf0, buf1, acc, gsem0, gsem1, ssem0, ssem1):
        cid = lax.axis_index("c")
        sid = lax.axis_index("s")
        wid = cid * _NS + sid
        base = sid * rows_per_tile
        pltpu.sync_copy(zeros_hbm, acc.at[pl.ds(base, rows_per_tile)])
        plsc.subcore_barrier()

        def group(g, carry):
            pltpu.sync_copy(src_hbm.at[wid, pl.ds(g * _KC, _KC)], src_v)
            pltpu.sync_copy(dst_hbm.at[wid, pl.ds(g * _KC, _KC)], dst_v)
            pltpu.async_copy(tbl_hbm.at[src_v.at[0]], buf0, gsem0)

            def pair(p, carry2):
                c0 = 2 * p
                c1 = c0 + 1
                pltpu.make_async_copy(
                    tbl_hbm.at[src_v.at[c0]], buf0, gsem0).wait()
                gd1 = pltpu.async_copy(tbl_hbm.at[src_v.at[c1]], buf1, gsem1)
                sd0 = pltpu.async_copy(buf0, acc.at[dst_v.at[c0]], ssem0,
                                       add=True)
                gd1.wait()
                sd1 = pltpu.async_copy(buf1, acc.at[dst_v.at[c1]], ssem1,
                                       add=True)
                sd0.wait()

                @pl.when(c1 + 1 < _KC)
                def _():
                    pltpu.async_copy(tbl_hbm.at[src_v.at[c1 + 1]], buf0, gsem0)

                sd1.wait()
                return carry2

            lax.fori_loop(0, _KC // 2, pair, 0)
            return carry

        lax.fori_loop(0, n_groups, group, 0)
        plsc.subcore_barrier()
        pltpu.sync_copy(acc.at[pl.ds(base, rows_per_tile)],
                        out_hbm.at[cid, pl.ds(base, rows_per_tile)])

    return hop


def _make_deg(n_pad, e_tile):
    n_vec = e_tile // 16

    @functools.partial(
        pl.kernel,
        out_type=jax.ShapeDtypeStruct((_NW, n_pad), jnp.float32),
        mesh=_mesh(),
        scratch_types=[
            pltpu.VMEM((e_tile,), jnp.int32),
            pltpu.VMEM((n_pad,), jnp.float32),
        ],
        compiler_params=pltpu.CompilerParams(needs_layout_passes=False),
    )
    def deg(dst_hbm, zeros_hbm, out_hbm, dst_v, hist):
        cid = lax.axis_index("c")
        sid = lax.axis_index("s")
        wid = cid * _NS + sid
        pltpu.sync_copy(dst_hbm.at[wid], dst_v)
        pltpu.sync_copy(zeros_hbm, hist)
        ones_v = jnp.full((16,), 1.0, jnp.float32)

        def body(v, carry):
            idx = dst_v[pl.ds(v * 16, 16)]
            plsc.addupdate_scatter(hist, [idx], ones_v)
            return carry

        lax.fori_loop(0, n_vec, body, 0)
        pltpu.sync_copy(hist, out_hbm.at[wid])

    return deg


def _combine(p, degt, n, blk, d):
    nw = degt.shape[1]

    def body(p_ref, d_ref, h_ref):
        deg = jnp.sum(d_ref[...], axis=1)
        inv = 1.0 / jnp.maximum(deg, 1.0)
        h_ref[...] = (p_ref[0] + p_ref[1]) * inv[:, None]

    return pl.pallas_call(
        body,
        grid=(n // blk,),
        in_specs=[pl.BlockSpec((2, blk, d), lambda j: (0, j, 0)),
                  pl.BlockSpec((blk, nw), lambda j: (j, 0))],
        out_specs=pl.BlockSpec((blk, d), lambda j: (j, 0)),
        out_shape=jax.ShapeDtypeStruct((n, d), jnp.float32),
    )(p, degt)


def _final(x, h1, q, degt, w, b2, n, blk):
    d = x.shape[1]
    out_dim = w.shape[0]
    nw = degt.shape[1]
    dims = (((1,), (1,)), ((), ()))

    def body(x_ref, h1_ref, q_ref, d_ref, w_ref, b_ref, o_ref):
        deg = jnp.sum(d_ref[...], axis=1)
        inv = 1.0 / jnp.maximum(deg, 1.0)
        h2 = (q_ref[0] + q_ref[1]) * inv[:, None]
        ww = w_ref[...]
        acc = lax.dot_general(x_ref[...], ww[:, :d], dims,
                              preferred_element_type=jnp.float32)
        acc += lax.dot_general(h1_ref[...], ww[:, d:2 * d], dims,
                               preferred_element_type=jnp.float32)
        acc += lax.dot_general(h2, ww[:, 2 * d:], dims,
                               preferred_element_type=jnp.float32)
        o_ref[...] = acc + b_ref[...]

    return pl.pallas_call(
        body,
        grid=(n // blk,),
        in_specs=[
            pl.BlockSpec((blk, d), lambda j: (j, 0)),
            pl.BlockSpec((blk, d), lambda j: (j, 0)),
            pl.BlockSpec((2, blk, d), lambda j: (0, j, 0)),
            pl.BlockSpec((blk, nw), lambda j: (j, 0)),
            pl.BlockSpec(w.shape, lambda j: (0, 0)),
            pl.BlockSpec((1, out_dim), lambda j: (0, 0)),
        ],
        out_specs=pl.BlockSpec((blk, out_dim), lambda j: (j, 0)),
        out_shape=jax.ShapeDtypeStruct((n, out_dim), jnp.float32),
    )(x, h1, q, degt, w, b2)


def kernel(x, edge_index, W, b):
    n, d = x.shape
    e = edge_index.shape[1]
    out_dim = W.shape[0]

    n_chunks = -(-e // (_NW * _CH))
    n_chunks = -(-n_chunks // _KC) * _KC
    e_pad = _NW * n_chunks * _CH
    n_pad = -(-n // (_NS * 128)) * (_NS * 128)
    if e_pad > e and n_pad - n < 1:
        n_pad += _NS * 128
    pad = e_pad - e
    src = edge_index[0]
    dst = edge_index[1]
    if pad:
        pad_ar = jnp.arange(pad, dtype=jnp.int32)
        src = jnp.concatenate([src, pad_ar % n])
        dst = jnp.concatenate([dst, n + pad_ar % (n_pad - n)])
    src_a = src.reshape(_NW, n_chunks, _CH)
    dst_a = dst.reshape(_NW, n_chunks, _CH)

    rows_per_tile = n_pad // _NS
    e_tile = n_chunks * _CH
    degp = _make_deg(n_pad, e_tile)(
        dst.reshape(_NW, e_tile), jnp.zeros((n_pad,), jnp.float32))
    hop = _make_hop(n_pad, n_chunks, d)
    zeros_d = jnp.zeros((rows_per_tile, d), jnp.float32)
    p1 = hop(x, src_a, dst_a, zeros_d)
    blk = 1000 if n % 1000 == 0 else 8
    blk2 = 1024 if n_pad % 1024 == 0 else 128
    degt = degp.T
    h1 = _combine(p1, degt, n_pad, blk2, d)
    p2 = hop(h1, src_a, dst_a, zeros_d)
    return _final(x, h1, p2, degt, W, b.reshape(1, out_dim), n, blk)

# --- scband reference (transcript-rebuilt; emitter-appended) ---
"""Pipeline reference for scband-graph-conv-21715354649724 (READ-ONLY COPY).

The authoritative reference and input builder live on the scoring server;
editing this copy changes nothing except your own understanding.
"""

import jax, jax.numpy as jnp
import numpy as np

N = 10000
E = 320000
D = 128
MAX_VIEW = 3
OUT = 128


def setup_inputs(seed: int = 0) -> dict:
    key = jax.random.key(seed)
    k1, k2, k3, k4 = jax.random.split(key, 4)
    x = jax.random.normal(k1, (N, D), dtype=jnp.float32)
    edge_index = jax.random.randint(k2, (2, E), 0, N, dtype=jnp.int32)
    # nn.Linear(input_dim * max_view, output_dim): weight [OUT, D*MAX_VIEW], bias [OUT]
    W = jax.random.normal(k3, (OUT, D * MAX_VIEW), dtype=jnp.float32) * 0.02
    b = jax.random.normal(k4, (OUT,), dtype=jnp.float32) * 0.02
    return {"x": x, "edge_index": edge_index, "W": W, "b": b}


def reference(x, edge_index, W, b):
    # conv(x): multi-hop mean-aggregation producing max_view concatenated views
    # [x, A_norm x, A_norm^2 x] -> [N, D * MAX_VIEW], then Linear.
    src = edge_index[0]
    dst = edge_index[1]
    ones = jnp.ones((E,), dtype=jnp.float32)
    deg = jax.ops.segment_sum(ones, dst, num_segments=N)
    deg = jnp.clip(deg, 1.0)[:, None]

    def prop(h):
        msgs = jnp.take(h, src, axis=0)               # gather over edges
        agg = jax.ops.segment_sum(msgs, dst, num_segments=N)  # scatter-add
        return agg / deg

    views = [x]
    h = x
    for _ in range(MAX_VIEW - 1):
        h = prop(h)
        views.append(h)
    z = jnp.concatenate(views, axis=1)                # [N, D * MAX_VIEW]
    out = z @ W.T + b                                 # nn.Linear
    return out

if __name__ == "__main__":
    import jax
    _d = setup_inputs()
    print(jax.jit(kernel)(*tuple(_d.values())))

</pallas_src>

<mosaic_0001>
#map = affine_map<(d0, d1) -> (0, 0)>
#map1 = affine_map<(d0, d1) -> (0, 0, 0)>
module attributes {stable_mosaic.version = 14 : i64} {
  func.func @hop(%arg0: i32, %arg1: i32, %arg2: memref<10240x128xf32, #tpu.memory_space<hbm>>, %arg3: memref<32x80x125xi32, #tpu.memory_space<hbm>>, %arg4: memref<32x80x125xi32, #tpu.memory_space<hbm>>, %arg5: memref<640x128xf32, #tpu.memory_space<hbm>>, %arg6: memref<2x10240x128xf32, #tpu.memory_space<hbm>>, %arg7: memref<16x125xi32, #tpu.memory_space<vmem>>, %arg8: memref<16x125xi32, #tpu.memory_space<vmem>>, %arg9: memref<125x128xf32, #tpu.memory_space<vmem>>, %arg10: memref<125x128xf32, #tpu.memory_space<vmem>>, %arg11: memref<10240x128xf32, #tpu.memory_space<vmem_shared>>, %arg12: memref<!tpu.dma_semaphore, #tpu.memory_space<semaphore_mem>>, %arg13: memref<!tpu.dma_semaphore, #tpu.memory_space<semaphore_mem>>, %arg14: memref<!tpu.dma_semaphore, #tpu.memory_space<semaphore_mem>>, %arg15: memref<!tpu.dma_semaphore, #tpu.memory_space<semaphore_mem>>) attributes {dimension_semantics = [#tpu.dimension_semantics<core_parallel>, #tpu.dimension_semantics<subcore_parallel>], iteration_bounds = array<i64: 2, 16>, scalar_prefetch = 0 : i64, scratch_operands = 9 : i64, tpu.core_type = #tpu.core_type<sc_vector_subcore>, window_params = [{transform_indices = #map}, {transform_indices = #map1}, {transform_indices = #map1}, {transform_indices = #map}, {transform_indices = #map1}]} {
    %mul3A = arith.constant 16 : i32
    %mul3A_0 = arith.muli %arg0, %mul3A : i32
    %add3A = arith.addi %mul3A_0, %arg1 : i32
    %mul3A_1 = arith.constant 640 : i32
    %mul3A_2 = arith.muli %arg1, %mul3A_1 : i32
    "tpu.region"() ({
      %run_scoped3A = tpu.sem_alloc : memref<!tpu.dma_semaphore, #tpu.memory_space<semaphore_mem>>
      %dma_start3A = arith.constant 0 : i32
      %dma_start3A_9 = tpu.memref_slice %arg11[%mul3A_2, %dma_start3A] : memref<10240x128xf32, #tpu.memory_space<vmem_shared>> -> memref<640x128xf32, #tpu.memory_space<vmem_shared>>
      tpu.enqueue_dma source(%arg5 : memref<640x128xf32, #tpu.memory_space<hbm>>) target(%dma_start3A_9 : memref<640x128xf32, #tpu.memory_space<vmem_shared>>) target_semaphore(%run_scoped3A : memref<!tpu.dma_semaphore, #tpu.memory_space<semaphore_mem>>)
      %dma_wait3A = arith.constant 0 : i32
      %dma_wait3A_10 = tpu.memref_slice %arg11[%mul3A_2, %dma_wait3A] : memref<10240x128xf32, #tpu.memory_space<vmem_shared>> -> memref<640x128xf32, #tpu.memory_space<vmem_shared>>
      tpu.wait_dma2 semaphore(%run_scoped3A : memref<!tpu.dma_semaphore, #tpu.memory_space<semaphore_mem>>) src(%arg5 : memref<640x128xf32, #tpu.memory_space<hbm>>) dst(%dma_wait3A_10 : memref<640x128xf32, #tpu.memory_space<vmem_shared>>)
      tpu.yield
    }) : () -> ()
    %barrier3A = arith.constant 0 : index
    tpu.barrier barrier_id(%barrier3A)
    %scan3A = arith.constant 0 : i32
    %scan3A_3 = arith.constant 0 : i32
    %scan3A_4 = arith.constant 5 : i32
    %scan3A_5 = arith.addi %scan3A_3, %scan3A_4 : i32
    %scan3A_6 = arith.constant 1 : i32
    scf.for %scan3A_9 = %scan3A_3 to %scan3A_5 step %scan3A_6  : i32 {
      %mul3A_10 = arith.constant 16 : i32
      %mul3A_11 = arith.muli %scan3A_9, %mul3A_10 : i32
      "tpu.region"() ({
        %run_scoped3A = tpu.sem_alloc : memref<!tpu.dma_semaphore, #tpu.memory_space<semaphore_mem>>
        %dma_start3A_26 = arith.constant 0 : i32
        %dma_start3A_27 = tpu.memref_slice %arg3[%add3A, %mul3A_11, %dma_start3A_26] : memref<32x80x125xi32, #tpu.memory_space<hbm>> -> memref<1x16x125xi32, #tpu.memory_space<hbm>>
        %dma_start3A_28 = tpu.memref_squeeze %dma_start3A_27 : memref<1x16x125xi32, #tpu.memory_space<hbm>> -> memref<16x125xi32, #tpu.memory_space<hbm>>
        %dma_start3A_29 = arith.constant 0 : i32
        %dma_start3A_30 = tpu.memref_slice %arg3[%add3A, %mul3A_11, %dma_start3A_29] : memref<32x80x125xi32, #tpu.memory_space<hbm>> -> memref<1x16x125xi32, #tpu.memory_space<hbm>>
        %dma_start3A_31 = tpu.memref_squeeze %dma_start3A_30 : memref<1x16x125xi32, #tpu.memory_space<hbm>> -> memref<16x125xi32, #tpu.memory_space<hbm>>
        tpu.enqueue_dma source(%dma_start3A_31 : memref<16x125xi32, #tpu.memory_space<hbm>>) target(%arg7 : memref<16x125xi32, #tpu.memory_space<vmem>>) target_semaphore(%run_scoped3A : memref<!tpu.dma_semaphore, #tpu.memory_space<semaphore_mem>>)
        %dma_wait3A = arith.constant 0 : i32
        %dma_wait3A_32 = tpu.memref_slice %arg3[%add3A, %mul3A_11, %dma_wait3A] : memref<32x80x125xi32, #tpu.memory_space<hbm>> -> memref<1x16x125xi32, #tpu.memory_space<hbm>>
        %dma_wait3A_33 = tpu.memref_squeeze %dma_wait3A_32 : memref<1x16x125xi32, #tpu.memory_space<hbm>> -> memref<16x125xi32, #tpu.memory_space<hbm>>
        %dma_wait3A_34 = arith.constant 0 : i32
        %dma_wait3A_35 = tpu.memref_slice %arg3[%add3A, %mul3A_11, %dma_wait3A_34] : memref<32x80x125xi32, #tpu.memory_space<hbm>> -> memref<1x16x125xi32, #tpu.memory_space<hbm>>
        %dma_wait3A_36 = tpu.memref_squeeze %dma_wait3A_35 : memref<1x16x125xi32, #tpu.memory_space<hbm>> -> memref<16x125xi32, #tpu.memory_space<hbm>>
        tpu.wait_dma2 semaphore(%run_scoped3A : memref<!tpu.dma_semaphore, #tpu.memory_space<semaphore_mem>>) src(%dma_wait3A_36 : memref<16x125xi32, #tpu.memory_space<hbm>>) dst(%arg7 : memref<16x125xi32, #tpu.memory_space<vmem>>)
        tpu.yield
      }) : () -> ()
      %mul3A_12 = arith.constant 16 : i32
      %mul3A_13 = arith.muli %scan3A_9, %mul3A_12 : i32
      "tpu.region"() ({
        %run_scoped3A = tpu.sem_alloc : memref<!tpu.dma_semaphore, #tpu.memory_space<semaphore_mem>>
        %dma_start3A_26 = arith.constant 0 : i32
        %dma_start3A_27 = tpu.memref_slice %arg4[%add3A, %mul3A_13, %dma_start3A_26] : memref<32x80x125xi32, #tpu.memory_space<hbm>> -> memref<1x16x125xi32, #tpu.memory_space<hbm>>
        %dma_start3A_28 = tpu.memref_squeeze %dma_start3A_27 : memref<1x16x125xi32, #tpu.memory_space<hbm>> -> memref<16x125xi32, #tpu.memory_space<hbm>>
        %dma_start3A_29 = arith.constant 0 : i32
        %dma_start3A_30 = tpu.memref_slice %arg4[%add3A, %mul3A_13, %dma_start3A_29] : memref<32x80x125xi32, #tpu.memory_space<hbm>> -> memref<1x16x125xi32, #tpu.memory_space<hbm>>
        %dma_start3A_31 = tpu.memref_squeeze %dma_start3A_30 : memref<1x16x125xi32, #tpu.memory_space<hbm>> -> memref<16x125xi32, #tpu.memory_space<hbm>>
        tpu.enqueue_dma source(%dma_start3A_31 : memref<16x125xi32, #tpu.memory_space<hbm>>) target(%arg8 : memref<16x125xi32, #tpu.memory_space<vmem>>) target_semaphore(%run_scoped3A : memref<!tpu.dma_semaphore, #tpu.memory_space<semaphore_mem>>)
        %dma_wait3A = arith.constant 0 : i32
        %dma_wait3A_32 = tpu.memref_slice %arg4[%add3A, %mul3A_13, %dma_wait3A] : memref<32x80x125xi32, #tpu.memory_space<hbm>> -> memref<1x16x125xi32, #tpu.memory_space<hbm>>
        %dma_wait3A_33 = tpu.memref_squeeze %dma_wait3A_32 : memref<1x16x125xi32, #tpu.memory_space<hbm>> -> memref<16x125xi32, #tpu.memory_space<hbm>>
        %dma_wait3A_34 = arith.constant 0 : i32
        %dma_wait3A_35 = tpu.memref_slice %arg4[%add3A, %mul3A_13, %dma_wait3A_34] : memref<32x80x125xi32, #tpu.memory_space<hbm>> -> memref<1x16x125xi32, #tpu.memory_space<hbm>>
        %dma_wait3A_36 = tpu.memref_squeeze %dma_wait3A_35 : memref<1x16x125xi32, #tpu.memory_space<hbm>> -> memref<16x125xi32, #tpu.memory_space<hbm>>
        tpu.wait_dma2 semaphore(%run_scoped3A : memref<!tpu.dma_semaphore, #tpu.memory_space<semaphore_mem>>) src(%dma_wait3A_36 : memref<16x125xi32, #tpu.memory_space<hbm>>) dst(%arg8 : memref<16x125xi32, #tpu.memory_space<vmem>>)
        tpu.yield
      }) : () -> ()
      %dma_start3A = arith.constant 0 : i32
      %dma_start3A_14 = arith.constant 0 : i32
      %dma_start3A_15 = tpu.memref_slice %arg7[%dma_start3A, %dma_start3A_14] : memref<16x125xi32, #tpu.memory_space<vmem>> -> memref<1x125xi32, #tpu.memory_space<vmem>>
      %dma_start3A_16 = tpu.memref_squeeze %dma_start3A_15 : memref<1x125xi32, #tpu.memory_space<vmem>> -> memref<125xi32, #tpu.memory_space<vmem>>
      %dma_start3A_17 = arith.constant 0 : i32
      %dma_start3A_18 = arith.constant 0 : i32
      %dma_start3A_19 = tpu.memref_slice %arg2[%dma_start3A_17, %dma_start3A_18] : memref<10240x128xf32, #tpu.memory_space<hbm>> -> memref<10240x128xf32, #tpu.memory_space<hbm>>
      tpu.enqueue_indirect_dma source(%dma_start3A_19 : memref<10240x128xf32, #tpu.memory_space<hbm>>) target(%arg9 : memref<125x128xf32, #tpu.memory_space<vmem>>) offsets(%dma_start3A_16 : memref<125xi32, #tpu.memory_space<vmem>>) semaphore(%arg12 : memref<!tpu.dma_semaphore, #tpu.memory_space<semaphore_mem>>)
      %scan3A_20 = arith.constant 0 : i32
      %scan3A_21 = arith.constant 0 : i32
      %scan3A_22 = arith.constant 8 : i32
      %scan3A_23 = arith.addi %scan3A_21, %scan3A_22 : i32
      %scan3A_24 = arith.constant 1 : i32
      scf.for %scan3A_26 = %scan3A_21 to %scan3A_23 step %scan3A_24  : i32 {
        %mul3A_27 = arith.constant 2 : i32
        %mul3A_28 = arith.muli %mul3A_27, %scan3A_26 : i32
        %add3A_29 = arith.constant 1 : i32
        %add3A_30 = arith.addi %mul3A_28, %add3A_29 : i32
        %dma_wait3A = arith.constant 0 : i32
        %dma_wait3A_31 = tpu.memref_slice %arg7[%mul3A_28, %dma_wait3A] : memref<16x125xi32, #tpu.memory_space<vmem>> -> memref<1x125xi32, #tpu.memory_space<vmem>>
        %dma_wait3A_32 = tpu.memref_squeeze %dma_wait3A_31 : memref<1x125xi32, #tpu.memory_space<vmem>> -> memref<125xi32, #tpu.memory_space<vmem>>
        %dma_wait3A_33 = arith.constant 0 : i32
        %dma_wait3A_34 = arith.constant 0 : i32
        %dma_wait3A_35 = tpu.memref_slice %arg2[%dma_wait3A_33, %dma_wait3A_34] : memref<10240x128xf32, #tpu.memory_space<hbm>> -> memref<10240x128xf32, #tpu.memory_space<hbm>>
        tpu.wait_indirect_dma semaphore(%arg12 : memref<!tpu.dma_semaphore, #tpu.memory_space<semaphore_mem>>) src(%dma_wait3A_35 : memref<10240x128xf32, #tpu.memory_space<hbm>>) dst(%arg9 : memref<125x128xf32, #tpu.memory_space<vmem>>)
        %dma_start3A_36 = arith.constant 0 : i32
        %dma_start3A_37 = tpu.memref_slice %arg7[%add3A_30, %dma_start3A_36] : memref<16x125xi32, #tpu.memory_space<vmem>> -> memref<1x125xi32, #tpu.memory_space<vmem>>
        %dma_start3A_38 = tpu.memref_squeeze %dma_start3A_37 : memref<1x125xi32, #tpu.memory_space<vmem>> -> memref<125xi32, #tpu.memory_space<vmem>>
        %dma_start3A_39 = arith.constant 0 : i32
        %dma_start3A_40 = arith.constant 0 : i32
        %dma_start3A_41 = tpu.memref_slice %arg2[%dma_start3A_39, %dma_start3A_40] : memref<10240x128xf32, #tpu.memory_space<hbm>> -> memref<10240x128xf32, #tpu.memory_space<hbm>>
        tpu.enqueue_indirect_dma source(%dma_start3A_41 : memref<10240x128xf32, #tpu.memory_space<hbm>>) target(%arg10 : memref<125x128xf32, #tpu.memory_space<vmem>>) offsets(%dma_start3A_38 : memref<125xi32, #tpu.memory_space<vmem>>) semaphore(%arg13 : memref<!tpu.dma_semaphore, #tpu.memory_space<semaphore_mem>>)
        %dma_start3A_42 = arith.constant 0 : i32
        %dma_start3A_43 = tpu.memref_slice %arg8[%mul3A_28, %dma_start3A_42] : memref<16x125xi32, #tpu.memory_space<vmem>> -> memref<1x125xi32, #tpu.memory_space<vmem>>
        %dma_start3A_44 = tpu.memref_squeeze %dma_start3A_43 : memref<1x125xi32, #tpu.memory_space<vmem>> -> memref<125xi32, #tpu.memory_space<vmem>>
        %dma_start3A_45 = arith.constant 0 : i32
        %dma_start3A_46 = arith.constant 0 : i32
        %dma_start3A_47 = tpu.memref_slice %arg11[%dma_start3A_45, %dma_start3A_46] : memref<10240x128xf32, #tpu.memory_space<vmem_shared>> -> memref<10240x128xf32, #tpu.memory_space<vmem_shared>>
        tpu.enqueue_indirect_dma source(%arg9 : memref<125x128xf32, #tpu.memory_space<vmem>>) target(%dma_start3A_47 : memref<10240x128xf32, #tpu.memory_space<vmem_shared>>) offsets(%dma_start3A_44 : memref<125xi32, #tpu.memory_space<vmem>>) semaphore(%arg14 : memref<!tpu.dma_semaphore, #tpu.memory_space<semaphore_mem>>) {add = true}
        %dma_wait3A_48 = arith.constant 0 : i32
        %dma_wait3A_49 = tpu.memref_slice %arg7[%add3A_30, %dma_wait3A_48] : memref<16x125xi32, #tpu.memory_space<vmem>> -> memref<1x125xi32, #tpu.memory_space<vmem>>
        %dma_wait3A_50 = tpu.memref_squeeze %dma_wait3A_49 : memref<1x125xi32, #tpu.memory_space<vmem>> -> memref<125xi32, #tpu.memory_space<vmem>>
        %dma_wait3A_51 = arith.constant 0 : i32
        %dma_wait3A_52 = arith.constant 0 : i32
        %dma_wait3A_53 = tpu.memref_slice %arg2[%dma_wait3A_51, %dma_wait3A_52] : memref<10240x128xf32, #tpu.memory_space<hbm>> -> memref<10240x128xf32, #tpu.memory_space<hbm>>
        tpu.wait_indirect_dma semaphore(%arg13 : memref<!tpu.dma_semaphore, #tpu.memory_space<semaphore_mem>>) src(%dma_wait3A_53 : memref<10240x128xf32, #tpu.memory_space<hbm>>) dst(%arg10 : memref<125x128xf32, #tpu.memory_space<vmem>>)
        %dma_start3A_54 = arith.constant 0 : i32
        %dma_start3A_55 = tpu.memref_slice %arg8[%add3A_30, %dma_start3A_54] : memref<16x125xi32, #tpu.memory_space<vmem>> -> memref<1x125xi32, #tpu.memory_space<vmem>>
        %dma_start3A_56 = tpu.memref_squeeze %dma_start3A_55 : memref<1x125xi32, #tpu.memory_space<vmem>> -> memref<125xi32, #tpu.memory_space<vmem>>
        %dma_start3A_57 = arith.constant 0 : i32
        %dma_start3A_58 = arith.constant 0 : i32
        %dma_start3A_59 = tpu.memref_slice %arg11[%dma_start3A_57, %dma_start3A_58] : memref<10240x128xf32, #tpu.memory_space<vmem_shared>> -> memref<10240x128xf32, #tpu.memory_space<vmem_shared>>
        tpu.enqueue_indirect_dma source(%arg10 : memref<125x128xf32, #tpu.memory_space<vmem>>) target(%dma_start3A_59 : memref<10240x128xf32, #tpu.memory_space<vmem_shared>>) offsets(%dma_start3A_56 : memref<125xi32, #tpu.memory_space<vmem>>) semaphore(%arg15 : memref<!tpu.dma_semaphore, #tpu.memory_space<semaphore_mem>>) {add = true}
        %dma_wait3A_60 = arith.constant 0 : i32
        %dma_wait3A_61 = tpu.memref_slice %arg8[%mul3A_28, %dma_wait3A_60] : memref<16x125xi32, #tpu.memory_space<vmem>> -> memref<1x125xi32, #tpu.memory_space<vmem>>
        %dma_wait3A_62 = tpu.memref_squeeze %dma_wait3A_61 : memref<1x125xi32, #tpu.memory_space<vmem>> -> memref<125xi32, #tpu.memory_space<vmem>>
        %dma_wait3A_63 = arith.constant 0 : i32
        %dma_wait3A_64 = arith.constant 0 : i32
        %dma_wait3A_65 = tpu.memref_slice %arg11[%dma_wait3A_63, %dma_wait3A_64] : memref<10240x128xf32, #tpu.memory_space<vmem_shared>> -> memref<10240x128xf32, #tpu.memory_space<vmem_shared>>
        tpu.wait_indirect_dma semaphore(%arg14 : memref<!tpu.dma_semaphore, #tpu.memory_space<semaphore_mem>>) src(%arg9 : memref<125x128xf32, #tpu.memory_space<vmem>>) dst(%dma_wait3A_65 : memref<10240x128xf32, #tpu.memory_space<vmem_shared>>)
        %add3A_66 = arith.constant 1 : i32
        %add3A_67 = arith.addi %add3A_30, %add3A_66 : i32
        %lt3A = arith.constant 16 : i32
        %lt3A_68 = arith.cmpi slt, %add3A_67, %lt3A : i32
        %convert_element_type3A = arith.extui %lt3A_68 : i1 to i32
        %cond3A = arith.constant 0 : i32
        %cond3A_69 = arith.cmpi ne, %convert_element_type3A, %cond3A : i32
        scf.if %cond3A_69 {
          %add3A_76 = arith.constant 1 : i32
          %add3A_77 = arith.addi %add3A_30, %add3A_76 : i32
          %dma_start3A_78 = arith.constant 0 : i32
          %dma_start3A_79 = tpu.memref_slice %arg7[%add3A_77, %dma_start3A_78] : memref<16x125xi32, #tpu.memory_space<vmem>> -> memref<1x125xi32, #tpu.memory_space<vmem>>
          %dma_start3A_80 = tpu.memref_squeeze %dma_start3A_79 : memref<1x125xi32, #tpu.memory_space<vmem>> -> memref<125xi32, #tpu.memory_space<vmem>>
          %dma_start3A_81 = arith.constant 0 : i32
          %dma_start3A_82 = arith.constant 0 : i32
          %dma_start3A_83 = tpu.memref_slice %arg2[%dma_start3A_81, %dma_start3A_82] : memref<10240x128xf32, #tpu.memory_space<hbm>> -> memref<10240x128xf32, #tpu.memory_space<hbm>>
          tpu.enqueue_indirect_dma source(%dma_start3A_83 : memref<10240x128xf32, #tpu.memory_space<hbm>>) target(%arg9 : memref<125x128xf32, #tpu.memory_space<vmem>>) offsets(%dma_start3A_80 : memref<125xi32, #tpu.memory_space<vmem>>) semaphore(%arg12 : memref<!tpu.dma_semaphore, #tpu.memory_space<semaphore_mem>>)
        } else {
        }
        %dma_wait3A_70 = arith.constant 0 : i32
        %dma_wait3A_71 = tpu.memref_slice %arg8[%add3A_30, %dma_wait3A_70] : memref<16x125xi32, #tpu.memory_space<vmem>> -> memref<1x125xi32, #tpu.memory_space<vmem>>
        %dma_wait3A_72 = tpu.memref_squeeze %dma_wait3A_71 : memref<1x125xi32, #tpu.memory_space<vmem>> -> memref<125xi32, #tpu.memory_space<vmem>>
        %dma_wait3A_73 = arith.constant 0 : i32
        %dma_wait3A_74 = arith.constant 0 : i32
        %dma_wait3A_75 = tpu.memref_slice %arg11[%dma_wait3A_73, %dma_wait3A_74] : memref<10240x128xf32, #tpu.memory_space<vmem_shared>> -> memref<10240x128xf32, #tpu.memory_space<vmem_shared>>
        tpu.wait_indirect_dma semaphore(%arg15 : memref<!tpu.dma_semaphore, #tpu.memory_space<semaphore_mem>>) src(%arg10 : memref<125x128xf32, #tpu.memory_space<vmem>>) dst(%dma_wait3A_75 : memref<10240x128xf32, #tpu.memory_space<vmem_shared>>)
      }
      %scan3A_25 = arith.constant 8 : i32
    }
    %scan3A_7 = arith.constant 5 : i32
    %barrier3A_8 = arith.constant 0 : index
    tpu.barrier barrier_id(%barrier3A_8)
    "tpu.region"() ({
      %run_scoped3A = tpu.sem_alloc : memref<!tpu.dma_semaphore, #tpu.memory_space<semaphore_mem>>
      %dma_start3A = arith.constant 0 : i32
      %dma_start3A_9 = tpu.memref_slice %arg6[%arg0, %mul3A_2, %dma_start3A] : memref<2x10240x128xf32, #tpu.memory_space<hbm>> -> memref<1x640x128xf32, #tpu.memory_space<hbm>>
      %dma_start3A_10 = tpu.memref_squeeze %dma_start3A_9 : memref<1x640x128xf32, #tpu.memory_space<hbm>> -> memref<640x128xf32, #tpu.memory_space<hbm>>
      %dma_start3A_11 = arith.constant 0 : i32
      %dma_start3A_12 = tpu.memref_slice %arg11[%mul3A_2, %dma_start3A_11] : memref<10240x128xf32, #tpu.memory_space<vmem_shared>> -> memref<640x128xf32, #tpu.memory_space<vmem_shared>>
      tpu.enqueue_dma source(%dma_start3A_12 : memref<640x128xf32, #tpu.memory_space<vmem_shared>>) target(%dma_start3A_10 : memref<640x128xf32, #tpu.memory_space<hbm>>) target_semaphore(%run_scoped3A : memref<!tpu.dma_semaphore, #tpu.memory_space<semaphore_mem>>)
      %dma_wait3A = arith.constant 0 : i32
      %dma_wait3A_13 = tpu.memref_slice %arg6[%arg0, %mul3A_2, %dma_wait3A] : memref<2x10240x128xf32, #tpu.memory_space<hbm>> -> memref<1x640x128xf32, #tpu.memory_space<hbm>>
      %dma_wait3A_14 = tpu.memref_squeeze %dma_wait3A_13 : memref<1x640x128xf32, #tpu.memory_space<hbm>> -> memref<640x128xf32, #tpu.memory_space<hbm>>
      %dma_wait3A_15 = arith.constant 0 : i32
      %dma_wait3A_16 = tpu.memref_slice %arg11[%mul3A_2, %dma_wait3A_15] : memref<10240x128xf32, #tpu.memory_space<vmem_shared>> -> memref<640x128xf32, #tpu.memory_space<vmem_shared>>
      tpu.wait_dma2 semaphore(%run_scoped3A : memref<!tpu.dma_semaphore, #tpu.memory_space<semaphore_mem>>) src(%dma_wait3A_16 : memref<640x128xf32, #tpu.memory_space<vmem_shared>>) dst(%dma_wait3A_14 : memref<640x128xf32, #tpu.memory_space<hbm>>)
      tpu.yield
    }) : () -> ()
    return
  }
}

#map = affine_map<(d0, d1) -> (0, 0)>
#map1 = affine_map<(d0, d1) -> (0, 0, 0)>
module attributes {stable_mosaic.version = 14 : i64} {
  func.func @hop(%arg0: i32, %arg1: i32, %arg2: memref<10000x128xf32, #tpu.memory_space<hbm>>, %arg3: memref<32x80x125xi32, #tpu.memory_space<hbm>>, %arg4: memref<32x80x125xi32, #tpu.memory_space<hbm>>, %arg5: memref<640x128xf32, #tpu.memory_space<hbm>>, %arg6: memref<2x10240x128xf32, #tpu.memory_space<hbm>>, %arg7: memref<16x125xi32, #tpu.memory_space<vmem>>, %arg8: memref<16x125xi32, #tpu.memory_space<vmem>>, %arg9: memref<125x128xf32, #tpu.memory_space<vmem>>, %arg10: memref<125x128xf32, #tpu.memory_space<vmem>>, %arg11: memref<10240x128xf32, #tpu.memory_space<vmem_shared>>, %arg12: memref<!tpu.dma_semaphore, #tpu.memory_space<semaphore_mem>>, %arg13: memref<!tpu.dma_semaphore, #tpu.memory_space<semaphore_mem>>, %arg14: memref<!tpu.dma_semaphore, #tpu.memory_space<semaphore_mem>>, %arg15: memref<!tpu.dma_semaphore, #tpu.memory_space<semaphore_mem>>) attributes {dimension_semantics = [#tpu.dimension_semantics<core_parallel>, #tpu.dimension_semantics<subcore_parallel>], iteration_bounds = array<i64: 2, 16>, scalar_prefetch = 0 : i64, scratch_operands = 9 : i64, tpu.core_type = #tpu.core_type<sc_vector_subcore>, window_params = [{transform_indices = #map}, {transform_indices = #map1}, {transform_indices = #map1}, {transform_indices = #map}, {transform_indices = #map1}]} {
    %mul3A = arith.constant 16 : i32
    %mul3A_0 = arith.muli %arg0, %mul3A : i32
    %add3A = arith.addi %mul3A_0, %arg1 : i32
    %mul3A_1 = arith.constant 640 : i32
    %mul3A_2 = arith.muli %arg1, %mul3A_1 : i32
    "tpu.region"() ({
      %run_scoped3A = tpu.sem_alloc : memref<!tpu.dma_semaphore, #tpu.memory_space<semaphore_mem>>
      %dma_start3A = arith.constant 0 : i32
      %dma_start3A_9 = tpu.memref_slice %arg11[%mul3A_2, %dma_start3A] : memref<10240x128xf32, #tpu.memory_space<vmem_shared>> -> memref<640x128xf32, #tpu.memory_space<vmem_shared>>
      tpu.enqueue_dma source(%arg5 : memref<640x128xf32, #tpu.memory_space<hbm>>) target(%dma_start3A_9 : memref<640x128xf32, #tpu.memory_space<vmem_shared>>) target_semaphore(%run_scoped3A : memref<!tpu.dma_semaphore, #tpu.memory_space<semaphore_mem>>)
      %dma_wait3A = arith.constant 0 : i32
      %dma_wait3A_10 = tpu.memref_slice %arg11[%mul3A_2, %dma_wait3A] : memref<10240x128xf32, #tpu.memory_space<vmem_shared>> -> memref<640x128xf32, #tpu.memory_space<vmem_shared>>
      tpu.wait_dma2 semaphore(%run_scoped3A : memref<!tpu.dma_semaphore, #tpu.memory_space<semaphore_mem>>) src(%arg5 : memref<640x128xf32, #tpu.memory_space<hbm>>) dst(%dma_wait3A_10 : memref<640x128xf32, #tpu.memory_space<vmem_shared>>)
      tpu.yield
    }) : () -> ()
    %barrier3A = arith.constant 0 : index
    tpu.barrier barrier_id(%barrier3A)
    %scan3A = arith.constant 0 : i32
    %scan3A_3 = arith.constant 0 : i32
    %scan3A_4 = arith.constant 5 : i32
    %scan3A_5 = arith.addi %scan3A_3, %scan3A_4 : i32
    %scan3A_6 = arith.constant 1 : i32
    scf.for %scan3A_9 = %scan3A_3 to %scan3A_5 step %scan3A_6  : i32 {
      %mul3A_10 = arith.constant 16 : i32
      %mul3A_11 = arith.muli %scan3A_9, %mul3A_10 : i32
      "tpu.region"() ({
        %run_scoped3A = tpu.sem_alloc : memref<!tpu.dma_semaphore, #tpu.memory_space<semaphore_mem>>
        %dma_start3A_26 = arith.constant 0 : i32
        %dma_start3A_27 = tpu.memref_slice %arg3[%add3A, %mul3A_11, %dma_start3A_26] : memref<32x80x125xi32, #tpu.memory_space<hbm>> -> memref<1x16x125xi32, #tpu.memory_space<hbm>>
        %dma_start3A_28 = tpu.memref_squeeze %dma_start3A_27 : memref<1x16x125xi32, #tpu.memory_space<hbm>> -> memref<16x125xi32, #tpu.memory_space<hbm>>
        %dma_start3A_29 = arith.constant 0 : i32
        %dma_start3A_30 = tpu.memref_slice %arg3[%add3A, %mul3A_11, %dma_start3A_29] : memref<32x80x125xi32, #tpu.memory_space<hbm>> -> memref<1x16x125xi32, #tpu.memory_space<hbm>>
        %dma_start3A_31 = tpu.memref_squeeze %dma_start3A_30 : memref<1x16x125xi32, #tpu.memory_space<hbm>> -> memref<16x125xi32, #tpu.memory_space<hbm>>
        tpu.enqueue_dma source(%dma_start3A_31 : memref<16x125xi32, #tpu.memory_space<hbm>>) target(%arg7 : memref<16x125xi32, #tpu.memory_space<vmem>>) target_semaphore(%run_scoped3A : memref<!tpu.dma_semaphore, #tpu.memory_space<semaphore_mem>>)
        %dma_wait3A = arith.constant 0 : i32
        %dma_wait3A_32 = tpu.memref_slice %arg3[%add3A, %mul3A_11, %dma_wait3A] : memref<32x80x125xi32, #tpu.memory_space<hbm>> -> memref<1x16x125xi32, #tpu.memory_space<hbm>>
        %dma_wait3A_33 = tpu.memref_squeeze %dma_wait3A_32 : memref<1x16x125xi32, #tpu.memory_space<hbm>> -> memref<16x125xi32, #tpu.memory_space<hbm>>
        %dma_wait3A_34 = arith.constant 0 : i32
        %dma_wait3A_35 = tpu.memref_slice %arg3[%add3A, %mul3A_11, %dma_wait3A_34] : memref<32x80x125xi32, #tpu.memory_space<hbm>> -> memref<1x16x125xi32, #tpu.memory_space<hbm>>
        %dma_wait3A_36 = tpu.memref_squeeze %dma_wait3A_35 : memref<1x16x125xi32, #tpu.memory_space<hbm>> -> memref<16x125xi32, #tpu.memory_space<hbm>>
        tpu.wait_dma2 semaphore(%run_scoped3A : memref<!tpu.dma_semaphore, #tpu.memory_space<semaphore_mem>>) src(%dma_wait3A_36 : memref<16x125xi32, #tpu.memory_space<hbm>>) dst(%arg7 : memref<16x125xi32, #tpu.memory_space<vmem>>)
        tpu.yield
      }) : () -> ()
      %mul3A_12 = arith.constant 16 : i32
      %mul3A_13 = arith.muli %scan3A_9, %mul3A_12 : i32
      "tpu.region"() ({
        %run_scoped3A = tpu.sem_alloc : memref<!tpu.dma_semaphore, #tpu.memory_space<semaphore_mem>>
        %dma_start3A_26 = arith.constant 0 : i32
        %dma_start3A_27 = tpu.memref_slice %arg4[%add3A, %mul3A_13, %dma_start3A_26] : memref<32x80x125xi32, #tpu.memory_space<hbm>> -> memref<1x16x125xi32, #tpu.memory_space<hbm>>
        %dma_start3A_28 = tpu.memref_squeeze %dma_start3A_27 : memref<1x16x125xi32, #tpu.memory_space<hbm>> -> memref<16x125xi32, #tpu.memory_space<hbm>>
        %dma_start3A_29 = arith.constant 0 : i32
        %dma_start3A_30 = tpu.memref_slice %arg4[%add3A, %mul3A_13, %dma_start3A_29] : memref<32x80x125xi32, #tpu.memory_space<hbm>> -> memref<1x16x125xi32, #tpu.memory_space<hbm>>
        %dma_start3A_31 = tpu.memref_squeeze %dma_start3A_30 : memref<1x16x125xi32, #tpu.memory_space<hbm>> -> memref<16x125xi32, #tpu.memory_space<hbm>>
        tpu.enqueue_dma source(%dma_start3A_31 : memref<16x125xi32, #tpu.memory_space<hbm>>) target(%arg8 : memref<16x125xi32, #tpu.memory_space<vmem>>) target_semaphore(%run_scoped3A : memref<!tpu.dma_semaphore, #tpu.memory_space<semaphore_mem>>)
        %dma_wait3A = arith.constant 0 : i32
        %dma_wait3A_32 = tpu.memref_slice %arg4[%add3A, %mul3A_13, %dma_wait3A] : memref<32x80x125xi32, #tpu.memory_space<hbm>> -> memref<1x16x125xi32, #tpu.memory_space<hbm>>
        %dma_wait3A_33 = tpu.memref_squeeze %dma_wait3A_32 : memref<1x16x125xi32, #tpu.memory_space<hbm>> -> memref<16x125xi32, #tpu.memory_space<hbm>>
        %dma_wait3A_34 = arith.constant 0 : i32
        %dma_wait3A_35 = tpu.memref_slice %arg4[%add3A, %mul3A_13, %dma_wait3A_34] : memref<32x80x125xi32, #tpu.memory_space<hbm>> -> memref<1x16x125xi32, #tpu.memory_space<hbm>>
        %dma_wait3A_36 = tpu.memref_squeeze %dma_wait3A_35 : memref<1x16x125xi32, #tpu.memory_space<hbm>> -> memref<16x125xi32, #tpu.memory_space<hbm>>
        tpu.wait_dma2 semaphore(%run_scoped3A : memref<!tpu.dma_semaphore, #tpu.memory_space<semaphore_mem>>) src(%dma_wait3A_36 : memref<16x125xi32, #tpu.memory_space<hbm>>) dst(%arg8 : memref<16x125xi32, #tpu.memory_space<vmem>>)
        tpu.yield
      }) : () -> ()
      %dma_start3A = arith.constant 0 : i32
      %dma_start3A_14 = arith.constant 0 : i32
      %dma_start3A_15 = tpu.memref_slice %arg7[%dma_start3A, %dma_start3A_14] : memref<16x125xi32, #tpu.memory_space<vmem>> -> memref<1x125xi32, #tpu.memory_space<vmem>>
      %dma_start3A_16 = tpu.memref_squeeze %dma_start3A_15 : memref<1x125xi32, #tpu.memory_space<vmem>> -> memref<125xi32, #tpu.memory_space<vmem>>
      %dma_start3A_17 = arith.constant 0 : i32
      %dma_start3A_18 = arith.constant 0 : i32
      %dma_start3A_19 = tpu.memref_slice %arg2[%dma_start3A_17, %dma_start3A_18] : memref<10000x128xf32, #tpu.memory_space<hbm>> -> memref<10000x128xf32, #tpu.memory_space<hbm>>
      tpu.enqueue_indirect_dma source(%dma_start3A_19 : memref<10000x128xf32, #tpu.memory_space<hbm>>) target(%arg9 : memref<125x128xf32, #tpu.memory_space<vmem>>) offsets(%dma_start3A_16 : memref<125xi32, #tpu.memory_space<vmem>>) semaphore(%arg12 : memref<!tpu.dma_semaphore, #tpu.memory_space<semaphore_mem>>)
      %scan3A_20 = arith.constant 0 : i32
      %scan3A_21 = arith.constant 0 : i32
      %scan3A_22 = arith.constant 8 : i32
      %scan3A_23 = arith.addi %scan3A_21, %scan3A_22 : i32
      %scan3A_24 = arith.constant 1 : i32
      scf.for %scan3A_26 = %scan3A_21 to %scan3A_23 step %scan3A_24  : i32 {
        %mul3A_27 = arith.constant 2 : i32
        %mul3A_28 = arith.muli %mul3A_27, %scan3A_26 : i32
        %add3A_29 = arith.constant 1 : i32
        %add3A_30 = arith.addi %mul3A_28, %add3A_29 : i32
        %dma_wait3A = arith.constant 0 : i32
        %dma_wait3A_31 = tpu.memref_slice %arg7[%mul3A_28, %dma_wait3A] : memref<16x125xi32, #tpu.memory_space<vmem>> -> memref<1x125xi32, #tpu.memory_space<vmem>>
        %dma_wait3A_32 = tpu.memref_squeeze %dma_wait3A_31 : memref<1x125xi32, #tpu.memory_space<vmem>> -> memref<125xi32, #tpu.memory_space<vmem>>
        %dma_wait3A_33 = arith.constant 0 : i32
        %dma_wait3A_34 = arith.constant 0 : i32
        %dma_wait3A_35 = tpu.memref_slice %arg2[%dma_wait3A_33, %dma_wait3A_34] : memref<10000x128xf32, #tpu.memory_space<hbm>> -> memref<10000x128xf32, #tpu.memory_space<hbm>>
        tpu.wait_indirect_dma semaphore(%arg12 : memref<!tpu.dma_semaphore, #tpu.memory_space<semaphore_mem>>) src(%dma_wait3A_35 : memref<10000x128xf32, #tpu.memory_space<hbm>>) dst(%arg9 : memref<125x128xf32, #tpu.memory_space<vmem>>)
        %dma_start3A_36 = arith.constant 0 : i32
        %dma_start3A_37 = tpu.memref_slice %arg7[%add3A_30, %dma_start3A_36] : memref<16x125xi32, #tpu.memory_space<vmem>> -> memref<1x125xi32, #tpu.memory_space<vmem>>
        %dma_start3A_38 = tpu.memref_squeeze %dma_start3A_37 : memref<1x125xi32, #tpu.memory_space<vmem>> -> memref<125xi32, #tpu.memory_space<vmem>>
        %dma_start3A_39 = arith.constant 0 : i32
        %dma_start3A_40 = arith.constant 0 : i32
        %dma_start3A_41 = tpu.memref_slice %arg2[%dma_start3A_39, %dma_start3A_40] : memref<10000x128xf32, #tpu.memory_space<hbm>> -> memref<10000x128xf32, #tpu.memory_space<hbm>>
        tpu.enqueue_indirect_dma source(%dma_start3A_41 : memref<10000x128xf32, #tpu.memory_space<hbm>>) target(%arg10 : memref<125x128xf32, #tpu.memory_space<vmem>>) offsets(%dma_start3A_38 : memref<125xi32, #tpu.memory_space<vmem>>) semaphore(%arg13 : memref<!tpu.dma_semaphore, #tpu.memory_space<semaphore_mem>>)
        %dma_start3A_42 = arith.constant 0 : i32
        %dma_start3A_43 = tpu.memref_slice %arg8[%mul3A_28, %dma_start3A_42] : memref<16x125xi32, #tpu.memory_space<vmem>> -> memref<1x125xi32, #tpu.memory_space<vmem>>
        %dma_start3A_44 = tpu.memref_squeeze %dma_start3A_43 : memref<1x125xi32, #tpu.memory_space<vmem>> -> memref<125xi32, #tpu.memory_space<vmem>>
        %dma_start3A_45 = arith.constant 0 : i32
        %dma_start3A_46 = arith.constant 0 : i32
        %dma_start3A_47 = tpu.memref_slice %arg11[%dma_start3A_45, %dma_start3A_46] : memref<10240x128xf32, #tpu.memory_space<vmem_shared>> -> memref<10240x128xf32, #tpu.memory_space<vmem_shared>>
        tpu.enqueue_indirect_dma source(%arg9 : memref<125x128xf32, #tpu.memory_space<vmem>>) target(%dma_start3A_47 : memref<10240x128xf32, #tpu.memory_space<vmem_shared>>) offsets(%dma_start3A_44 : memref<125xi32, #tpu.memory_space<vmem>>) semaphore(%arg14 : memref<!tpu.dma_semaphore, #tpu.memory_space<semaphore_mem>>) {add = true}
        %dma_wait3A_48 = arith.constant 0 : i32
        %dma_wait3A_49 = tpu.memref_slice %arg7[%add3A_30, %dma_wait3A_48] : memref<16x125xi32, #tpu.memory_space<vmem>> -> memref<1x125xi32, #tpu.memory_space<vmem>>
        %dma_wait3A_50 = tpu.memref_squeeze %dma_wait3A_49 : memref<1x125xi32, #tpu.memory_space<vmem>> -> memref<125xi32, #tpu.memory_space<vmem>>
        %dma_wait3A_51 = arith.constant 0 : i32
        %dma_wait3A_52 = arith.constant 0 : i32
        %dma_wait3A_53 = tpu.memref_slice %arg2[%dma_wait3A_51, %dma_wait3A_52] : memref<10000x128xf32, #tpu.memory_space<hbm>> -> memref<10000x128xf32, #tpu.memory_space<hbm>>
        tpu.wait_indirect_dma semaphore(%arg13 : memref<!tpu.dma_semaphore, #tpu.memory_space<semaphore_mem>>) src(%dma_wait3A_53 : memref<10000x128xf32, #tpu.memory_space<hbm>>) dst(%arg10 : memref<125x128xf32, #tpu.memory_space<vmem>>)
        %dma_start3A_54 = arith.constant 0 : i32
        %dma_start3A_55 = tpu.memref_slice %arg8[%add3A_30, %dma_start3A_54] : memref<16x125xi32, #tpu.memory_space<vmem>> -> memref<1x125xi32, #tpu.memory_space<vmem>>
        %dma_start3A_56 = tpu.memref_squeeze %dma_start3A_55 : memref<1x125xi32, #tpu.memory_space<vmem>> -> memref<125xi32, #tpu.memory_space<vmem>>
        %dma_start3A_57 = arith.constant 0 : i32
        %dma_start3A_58 = arith.constant 0 : i32
        %dma_start3A_59 = tpu.memref_slice %arg11[%dma_start3A_57, %dma_start3A_58] : memref<10240x128xf32, #tpu.memory_space<vmem_shared>> -> memref<10240x128xf32, #tpu.memory_space<vmem_shared>>
        tpu.enqueue_indirect_dma source(%arg10 : memref<125x128xf32, #tpu.memory_space<vmem>>) target(%dma_start3A_59 : memref<10240x128xf32, #tpu.memory_space<vmem_shared>>) offsets(%dma_start3A_56 : memref<125xi32, #tpu.memory_space<vmem>>) semaphore(%arg15 : memref<!tpu.dma_semaphore, #tpu.memory_space<semaphore_mem>>) {add = true}
        %dma_wait3A_60 = arith.constant 0 : i32
        %dma_wait3A_61 = tpu.memref_slice %arg8[%mul3A_28, %dma_wait3A_60] : memref<16x125xi32, #tpu.memory_space<vmem>> -> memref<1x125xi32, #tpu.memory_space<vmem>>
        %dma_wait3A_62 = tpu.memref_squeeze %dma_wait3A_61 : memref<1x125xi32, #tpu.memory_space<vmem>> -> memref<125xi32, #tpu.memory_space<vmem>>
        %dma_wait3A_63 = arith.constant 0 : i32
        %dma_wait3A_64 = arith.constant 0 : i32
        %dma_wait3A_65 = tpu.memref_slice %arg11[%dma_wait3A_63, %dma_wait3A_64] : memref<10240x128xf32, #tpu.memory_space<vmem_shared>> -> memref<10240x128xf32, #tpu.memory_space<vmem_shared>>
        tpu.wait_indirect_dma semaphore(%arg14 : memref<!tpu.dma_semaphore, #tpu.memory_space<semaphore_mem>>) src(%arg9 : memref<125x128xf32, #tpu.memory_space<vmem>>) dst(%dma_wait3A_65 : memref<10240x128xf32, #tpu.memory_space<vmem_shared>>)
        %add3A_66 = arith.constant 1 : i32
        %add3A_67 = arith.addi %add3A_30, %add3A_66 : i32
        %lt3A = arith.constant 16 : i32
        %lt3A_68 = arith.cmpi slt, %add3A_67, %lt3A : i32
        %convert_element_type3A = arith.extui %lt3A_68 : i1 to i32
        %cond3A = arith.constant 0 : i32
        %cond3A_69 = arith.cmpi ne, %convert_element_type3A, %cond3A : i32
        scf.if %cond3A_69 {
          %add3A_76 = arith.constant 1 : i32
          %add3A_77 = arith.addi %add3A_30, %add3A_76 : i32
          %dma_start3A_78 = arith.constant 0 : i32
          %dma_start3A_79 = tpu.memref_slice %arg7[%add3A_77, %dma_start3A_78] : memref<16x125xi32, #tpu.memory_space<vmem>> -> memref<1x125xi32, #tpu.memory_space<vmem>>
          %dma_start3A_80 = tpu.memref_squeeze %dma_start3A_79 : memref<1x125xi32, #tpu.memory_space<vmem>> -> memref<125xi32, #tpu.memory_space<vmem>>
          %dma_start3A_81 = arith.constant 0 : i32
          %dma_start3A_82 = arith.constant 0 : i32
          %dma_start3A_83 = tpu.memref_slice %arg2[%dma_start3A_81, %dma_start3A_82] : memref<10000x128xf32, #tpu.memory_space<hbm>> -> memref<10000x128xf32, #tpu.memory_space<hbm>>
          tpu.enqueue_indirect_dma source(%dma_start3A_83 : memref<10000x128xf32, #tpu.memory_space<hbm>>) target(%arg9 : memref<125x128xf32, #tpu.memory_space<vmem>>) offsets(%dma_start3A_80 : memref<125xi32, #tpu.memory_space<vmem>>) semaphore(%arg12 : memref<!tpu.dma_semaphore, #tpu.memory_space<semaphore_mem>>)
        } else {
        }
        %dma_wait3A_70 = arith.constant 0 : i32
        %dma_wait3A_71 = tpu.memref_slice %arg8[%add3A_30, %dma_wait3A_70] : memref<16x125xi32, #tpu.memory_space<vmem>> -> memref<1x125xi32, #tpu.memory_space<vmem>>
        %dma_wait3A_72 = tpu.memref_squeeze %dma_wait3A_71 : memref<1x125xi32, #tpu.memory_space<vmem>> -> memref<125xi32, #tpu.memory_space<vmem>>
        %dma_wait3A_73 = arith.constant 0 : i32
        %dma_wait3A_74 = arith.constant 0 : i32
        %dma_wait3A_75 = tpu.memref_slice %arg11[%dma_wait3A_73, %dma_wait3A_74] : memref<10240x128xf32, #tpu.memory_space<vmem_shared>> -> memref<10240x128xf32, #tpu.memory_space<vmem_shared>>
        tpu.wait_indirect_dma semaphore(%arg15 : memref<!tpu.dma_semaphore, #tpu.memory_space<semaphore_mem>>) src(%arg10 : memref<125x128xf32, #tpu.memory_space<vmem>>) dst(%dma_wait3A_75 : memref<10240x128xf32, #tpu.memory_space<vmem_shared>>)
      }
      %scan3A_25 = arith.constant 8 : i32
    }
    %scan3A_7 = arith.constant 5 : i32
    %barrier3A_8 = arith.constant 0 : index
    tpu.barrier barrier_id(%barrier3A_8)
    "tpu.region"() ({
      %run_scoped3A = tpu.sem_alloc : memref<!tpu.dma_semaphore, #tpu.memory_space<semaphore_mem>>
      %dma_start3A = arith.constant 0 : i32
      %dma_start3A_9 = tpu.memref_slice %arg6[%arg0, %mul3A_2, %dma_start3A] : memref<2x10240x128xf32, #tpu.memory_space<hbm>> -> memref<1x640x128xf32, #tpu.memory_space<hbm>>
      %dma_start3A_10 = tpu.memref_squeeze %dma_start3A_9 : memref<1x640x128xf32, #tpu.memory_space<hbm>> -> memref<640x128xf32, #tpu.memory_space<hbm>>
      %dma_start3A_11 = arith.constant 0 : i32
      %dma_start3A_12 = tpu.memref_slice %arg11[%mul3A_2, %dma_start3A_11] : memref<10240x128xf32, #tpu.memory_space<vmem_shared>> -> memref<640x128xf32, #tpu.memory_space<vmem_shared>>
      tpu.enqueue_dma source(%dma_start3A_12 : memref<640x128xf32, #tpu.memory_space<vmem_shared>>) target(%dma_start3A_10 : memref<640x128xf32, #tpu.memory_space<hbm>>) target_semaphore(%run_scoped3A : memref<!tpu.dma_semaphore, #tpu.memory_space<semaphore_mem>>)
      %dma_wait3A = arith.constant 0 : i32
      %dma_wait3A_13 = tpu.memref_slice %arg6[%arg0, %mul3A_2, %dma_wait3A] : memref<2x10240x128xf32, #tpu.memory_space<hbm>> -> memref<1x640x128xf32, #tpu.memory_space<hbm>>
      %dma_wait3A_14 = tpu.memref_squeeze %dma_wait3A_13 : memref<1x640x128xf32, #tpu.memory_space<hbm>> -> memref<640x128xf32, #tpu.memory_space<hbm>>
      %dma_wait3A_15 = arith.constant 0 : i32
      %dma_wait3A_16 = tpu.memref_slice %arg11[%mul3A_2, %dma_wait3A_15] : memref<10240x128xf32, #tpu.memory_space<vmem_shared>> -> memref<640x128xf32, #tpu.memory_space<vmem_shared>>
      tpu.wait_dma2 semaphore(%run_scoped3A : memref<!tpu.dma_semaphore, #tpu.memory_space<semaphore_mem>>) src(%dma_wait3A_16 : memref<640x128xf32, #tpu.memory_space<vmem_shared>>) dst(%dma_wait3A_14 : memref<640x128xf32, #tpu.memory_space<hbm>>)
      tpu.yield
    }) : () -> ()
    return
  }
}

#map = affine_map<(d0, d1) -> (0, 0)>
#map1 = affine_map<(d0, d1) -> (0)>
module attributes {stable_mosaic.version = 14 : i64} {
  func.func @deg(%arg0: i32, %arg1: i32, %arg2: memref<32x10000xi32, #tpu.memory_space<hbm>>, %arg3: memref<10240xf32, #tpu.memory_space<hbm>>, %arg4: memref<32x10240xf32, #tpu.memory_space<hbm>>, %arg5: memref<10000xi32, #tpu.memory_space<vmem>>, %arg6: memref<10240xf32, #tpu.memory_space<vmem>>) attributes {dimension_semantics = [#tpu.dimension_semantics<core_parallel>, #tpu.dimension_semantics<subcore_parallel>], iteration_bounds = array<i64: 2, 16>, scalar_prefetch = 0 : i64, scratch_operands = 2 : i64, tpu.core_type = #tpu.core_type<sc_vector_subcore>, window_params = [{transform_indices = #map}, {transform_indices = #map1}, {transform_indices = #map}]} {
    %mul3A = arith.constant 16 : i32
    %mul3A_0 = arith.muli %arg0, %mul3A : i32
    %add3A = arith.addi %mul3A_0, %arg1 : i32
    "tpu.region"() ({
      %run_scoped3A = tpu.sem_alloc : memref<!tpu.dma_semaphore, #tpu.memory_space<semaphore_mem>>
      %dma_start3A = arith.constant 0 : i32
      %dma_start3A_7 = tpu.memref_slice %arg2[%add3A, %dma_start3A] : memref<32x10000xi32, #tpu.memory_space<hbm>> -> memref<1x10000xi32, #tpu.memory_space<hbm>>
      %dma_start3A_8 = tpu.memref_squeeze %dma_start3A_7 : memref<1x10000xi32, #tpu.memory_space<hbm>> -> memref<10000xi32, #tpu.memory_space<hbm>>
      %dma_start3A_9 = arith.constant 0 : i32
      %dma_start3A_10 = tpu.memref_slice %arg2[%add3A, %dma_start3A_9] : memref<32x10000xi32, #tpu.memory_space<hbm>> -> memref<1x10000xi32, #tpu.memory_space<hbm>>
      %dma_start3A_11 = tpu.memref_squeeze %dma_start3A_10 : memref<1x10000xi32, #tpu.memory_space<hbm>> -> memref<10000xi32, #tpu.memory_space<hbm>>
      tpu.enqueue_dma source(%dma_start3A_11 : memref<10000xi32, #tpu.memory_space<hbm>>) target(%arg5 : memref<10000xi32, #tpu.memory_space<vmem>>) target_semaphore(%run_scoped3A : memref<!tpu.dma_semaphore, #tpu.memory_space<semaphore_mem>>)
      %dma_wait3A = arith.constant 0 : i32
      %dma_wait3A_12 = tpu.memref_slice %arg2[%add3A, %dma_wait3A] : memref<32x10000xi32, #tpu.memory_space<hbm>> -> memref<1x10000xi32, #tpu.memory_space<hbm>>
      %dma_wait3A_13 = tpu.memref_squeeze %dma_wait3A_12 : memref<1x10000xi32, #tpu.memory_space<hbm>> -> memref<10000xi32, #tpu.memory_space<hbm>>
      %dma_wait3A_14 = arith.constant 0 : i32
      %dma_wait3A_15 = tpu.memref_slice %arg2[%add3A, %dma_wait3A_14] : memref<32x10000xi32, #tpu.memory_space<hbm>> -> memref<1x10000xi32, #tpu.memory_space<hbm>>
      %dma_wait3A_16 = tpu.memref_squeeze %dma_wait3A_15 : memref<1x10000xi32, #tpu.memory_space<hbm>> -> memref<10000xi32, #tpu.memory_space<hbm>>
      tpu.wait_dma2 semaphore(%run_scoped3A : memref<!tpu.dma_semaphore, #tpu.memory_space<semaphore_mem>>) src(%dma_wait3A_16 : memref<10000xi32, #tpu.memory_space<hbm>>) dst(%arg5 : memref<10000xi32, #tpu.memory_space<vmem>>)
      tpu.yield
    }) : () -> ()
    "tpu.region"() ({
      %run_scoped3A = tpu.sem_alloc : memref<!tpu.dma_semaphore, #tpu.memory_space<semaphore_mem>>
      tpu.enqueue_dma source(%arg3 : memref<10240xf32, #tpu.memory_space<hbm>>) target(%arg6 : memref<10240xf32, #tpu.memory_space<vmem>>) target_semaphore(%run_scoped3A : memref<!tpu.dma_semaphore, #tpu.memory_space<semaphore_mem>>)
      tpu.wait_dma2 semaphore(%run_scoped3A : memref<!tpu.dma_semaphore, #tpu.memory_space<semaphore_mem>>) src(%arg3 : memref<10240xf32, #tpu.memory_space<hbm>>) dst(%arg6 : memref<10240xf32, #tpu.memory_space<vmem>>)
      tpu.yield
    }) : () -> ()
    %broadcast_in_dim3A = arith.constant 1.000000e+00 : f32
    %broadcast_in_dim3A_1 = vector.broadcast %broadcast_in_dim3A : f32 to vector<16xf32>
    %scan3A = arith.constant 0 : i32
    %scan3A_2 = arith.constant 0 : i32
    %scan3A_3 = arith.constant 625 : i32
    %scan3A_4 = arith.addi %scan3A_2, %scan3A_3 : i32
    %scan3A_5 = arith.constant 1 : i32
    scf.for %scan3A_7 = %scan3A_2 to %scan3A_4 step %scan3A_5  : i32 {
      %mul3A_8 = arith.constant 16 : i32
      %mul3A_9 = arith.muli %scan3A_7, %mul3A_8 : i32
      %get3A = arith.index_cast %mul3A_9 : i32 to index
      %get3A_10 = tpu.vector_load %arg5[%get3A] {strides = array<i32>} : memref<10000xi32, #tpu.memory_space<vmem>>, vector<16xi32>,
      tpu.vector_store_idx %arg6[%get3A_10], %broadcast_in_dim3A_1 {add = true} : memref<10240xf32, #tpu.memory_space<vmem>>[vector<16xi32>], vector<16xf32>,
    }
    %scan3A_6 = arith.constant 625 : i32
    "tpu.region"() ({
      %run_scoped3A = tpu.sem_alloc : memref<!tpu.dma_semaphore, #tpu.memory_space<semaphore_mem>>
      %dma_start3A = arith.constant 0 : i32
      %dma_start3A_7 = tpu.memref_slice %arg4[%add3A, %dma_start3A] : memref<32x10240xf32, #tpu.memory_space<hbm>> -> memref<1x10240xf32, #tpu.memory_space<hbm>>
      %dma_start3A_8 = tpu.memref_squeeze %dma_start3A_7 : memref<1x10240xf32, #tpu.memory_space<hbm>> -> memref<10240xf32, #tpu.memory_space<hbm>>
      %dma_start3A_9 = arith.constant 0 : i32
      %dma_start3A_10 = tpu.memref_slice %arg4[%add3A, %dma_start3A_9] : memref<32x10240xf32, #tpu.memory_space<hbm>> -> memref<1x10240xf32, #tpu.memory_space<hbm>>
      %dma_start3A_11 = tpu.memref_squeeze %dma_start3A_10 : memref<1x10240xf32, #tpu.memory_space<hbm>> -> memref<10240xf32, #tpu.memory_space<hbm>>
      tpu.enqueue_dma source(%arg6 : memref<10240xf32, #tpu.memory_space<vmem>>) target(%dma_start3A_11 : memref<10240xf32, #tpu.memory_space<hbm>>) target_semaphore(%run_scoped3A : memref<!tpu.dma_semaphore, #tpu.memory_space<semaphore_mem>>)
      %dma_wait3A = arith.constant 0 : i32
      %dma_wait3A_12 = tpu.memref_slice %arg4[%add3A, %dma_wait3A] : memref<32x10240xf32, #tpu.memory_space<hbm>> -> memref<1x10240xf32, #tpu.memory_space<hbm>>
      %dma_wait3A_13 = tpu.memref_squeeze %dma_wait3A_12 : memref<1x10240xf32, #tpu.memory_space<hbm>> -> memref<10240xf32, #tpu.memory_space<hbm>>
      %dma_wait3A_14 = arith.constant 0 : i32
      %dma_wait3A_15 = tpu.memref_slice %arg4[%add3A, %dma_wait3A_14] : memref<32x10240xf32, #tpu.memory_space<hbm>> -> memref<1x10240xf32, #tpu.memory_space<hbm>>
      %dma_wait3A_16 = tpu.memref_squeeze %dma_wait3A_15 : memref<1x10240xf32, #tpu.memory_space<hbm>> -> memref<10240xf32, #tpu.memory_space<hbm>>
      tpu.wait_dma2 semaphore(%run_scoped3A : memref<!tpu.dma_semaphore, #tpu.memory_space<semaphore_mem>>) src(%arg6 : memref<10240xf32, #tpu.memory_space<vmem>>) dst(%dma_wait3A_16 : memref<10240xf32, #tpu.memory_space<hbm>>)
      tpu.yield
    }) : () -> ()
    return
  }
}

module attributes {stable_mosaic.version = 14 : i64} {
  func.func @body(%arg0: i32, %arg1: memref<2x1024x128xf32, #tpu.memory_space<vmem>>, %arg2: memref<1024x32xf32, #tpu.memory_space<vmem>>, %arg3: memref<1024x128xf32, #tpu.memory_space<vmem>>) attributes {dimension_semantics = [#tpu.dimension_semantics<arbitrary>], iteration_bounds = array<i64: 10>, scalar_prefetch = 0 : i64, scratch_operands = 0 : i64, tpu.core_type = #tpu.core_type<tc>, window_params = [{transform_indices = @transform_0, window_bounds = array<i64: 2, 1024, 128>}, {transform_indices = @transform_1, window_bounds = array<i64: 1024, 32>}, {transform_indices = @transform_2, window_bounds = array<i64: 1024, 128>}]} {
    %get3A = arith.constant 0 : index
    %get3A_0 = arith.constant 0 : index
    %get3A_1 = vector.load %arg2[%get3A, %get3A_0] : memref<1024x32xf32, #tpu.memory_space<vmem>>, vector<1024x32xf32>
    %reduce_sum3A = arith.constant dense<0.000000e+00> : vector<1024xf32>
    %reduce_sum3A_2 = vector.multi_reduction <add>, %get3A_1, %reduce_sum3A [1] : vector<1024x32xf32> to vector<1024xf32>
    %max3A = arith.constant 1.000000e+00 : f32
    %max3A_3 = vector.broadcast %max3A : f32 to vector<1024xf32>
    %max3A_4 = arith.maximumf %reduce_sum3A_2, %max3A_3 : vector<1024xf32>
    %div3A = arith.constant 1.000000e+00 : f32
    %div3A_5 = vector.broadcast %div3A : f32 to vector<1024xf32>
    %div3A_6 = arith.divf %div3A_5, %max3A_4 : vector<1024xf32>
    %get3A_7 = arith.constant 0 : index
    %get3A_8 = arith.constant 0 : index
    %get3A_9 = arith.constant 0 : index
    %get3A_10 = vector.load %arg1[%get3A_7, %get3A_8, %get3A_9] : memref<2x1024x128xf32, #tpu.memory_space<vmem>>, vector<1x1024x128xf32>
    %get3A_11 = vector.shape_cast %get3A_10 : vector<1x1024x128xf32> to vector<1024x128xf32>
    %get3A_12 = arith.constant 1 : index
    %get3A_13 = arith.constant 0 : index
    %get3A_14 = arith.constant 0 : index
    %get3A_15 = vector.load %arg1[%get3A_12, %get3A_13, %get3A_14] : memref<2x1024x128xf32, #tpu.memory_space<vmem>>, vector<1x1024x128xf32>
    %get3A_16 = vector.shape_cast %get3A_15 : vector<1x1024x128xf32> to vector<1024x128xf32>
    %add3A = arith.addf %get3A_11, %get3A_16 : vector<1024x128xf32>
    %broadcast_in_dim3A = vector.shape_cast %div3A_6 : vector<1024xf32> to vector<1024x1xf32>
    %mul3A = vector.broadcast %broadcast_in_dim3A : vector<1024x1xf32> to vector<1024x128xf32>
    %mul3A_17 = arith.mulf %add3A, %mul3A : vector<1024x128xf32>
    %swap3A = arith.constant 0 : index
    %swap3A_18 = arith.constant 0 : index
    %swap3A_19 = vector.load %arg3[%swap3A, %swap3A_18] : memref<1024x128xf32, #tpu.memory_space<vmem>>, vector<1024x128xf32>
    tpu.vector_store %arg3[%swap3A, %swap3A_18], %mul3A_17 {strides = array<i32>} : memref<1024x128xf32, #tpu.memory_space<vmem>>, vector<1024x128xf32>,
    return
  }
  func.func @transform_0(%arg0: i32) -> (i32, i32, i32) {
    %c0_i32 = arith.constant 0 : i32
    %c0_i32_0 = arith.constant 0 : i32
    %c0_i32_1 = arith.constant 0 : i32
    return %c0_i32, %arg0, %c0_i32_0 : i32, i32, i32
  }
  func.func @transform_1(%arg0: i32) -> (i32, i32) {
    %c0_i32 = arith.constant 0 : i32
    %c0_i32_0 = arith.constant 0 : i32
    return %arg0, %c0_i32 : i32, i32
  }
  func.func @transform_2(%arg0: i32) -> (i32, i32) {
    %c0_i32 = arith.constant 0 : i32
    %c0_i32_0 = arith.constant 0 : i32
    return %arg0, %c0_i32 : i32, i32
  }
}

module attributes {stable_mosaic.version = 14 : i64} {
  func.func @body(%arg0: i32, %arg1: memref<1000x128xf32, #tpu.memory_space<vmem>>, %arg2: memref<1000x128xf32, #tpu.memory_space<vmem>>, %arg3: memref<2x1000x128xf32, #tpu.memory_space<vmem>>, %arg4: memref<1000x32xf32, #tpu.memory_space<vmem>>, %arg5: memref<128x384xf32, #tpu.memory_space<vmem>>, %arg6: memref<1x128xf32, #tpu.memory_space<vmem>>, %arg7: memref<1000x128xf32, #tpu.memory_space<vmem>>) attributes {dimension_semantics = [#tpu.dimension_semantics<arbitrary>], iteration_bounds = array<i64: 10>, scalar_prefetch = 0 : i64, scratch_operands = 0 : i64, tpu.core_type = #tpu.core_type<tc>, window_params = [{transform_indices = @transform_0, window_bounds = array<i64: 1000, 128>}, {transform_indices = @transform_1, window_bounds = array<i64: 1000, 128>}, {transform_indices = @transform_2, window_bounds = array<i64: 2, 1000, 128>}, {transform_indices = @transform_3, window_bounds = array<i64: 1000, 32>}, {pipeline_mode = #tpu.pipeline_mode<synchronous>, transform_indices = @transform_4, window_bounds = array<i64: 128, 384>}, {pipeline_mode = #tpu.pipeline_mode<synchronous>, transform_indices = @transform_5, window_bounds = array<i64: 1, 128>}, {transform_indices = @transform_6, window_bounds = array<i64: 1000, 128>}]} {
    %get3A = arith.constant 0 : index
    %get3A_0 = arith.constant 0 : index
    %get3A_1 = vector.load %arg4[%get3A, %get3A_0] : memref<1000x32xf32, #tpu.memory_space<vmem>>, vector<1000x32xf32>
    %reduce_sum3A = arith.constant dense<0.000000e+00> : vector<1000xf32>
    %reduce_sum3A_2 = vector.multi_reduction <add>, %get3A_1, %reduce_sum3A [1] : vector<1000x32xf32> to vector<1000xf32>
    %max3A = arith.constant 1.000000e+00 : f32
    %max3A_3 = vector.broadcast %max3A : f32 to vector<1000xf32>
    %max3A_4 = arith.maximumf %reduce_sum3A_2, %max3A_3 : vector<1000xf32>
    %div3A = arith.constant 1.000000e+00 : f32
    %div3A_5 = vector.broadcast %div3A : f32 to vector<1000xf32>
    %div3A_6 = arith.divf %div3A_5, %max3A_4 : vector<1000xf32>
    %get3A_7 = arith.constant 0 : index
    %get3A_8 = arith.constant 0 : index
    %get3A_9 = arith.constant 0 : index
    %get3A_10 = vector.load %arg3[%get3A_7, %get3A_8, %get3A_9] : memref<2x1000x128xf32, #tpu.memory_space<vmem>>, vector<1x1000x128xf32>
    %get3A_11 = vector.shape_cast %get3A_10 : vector<1x1000x128xf32> to vector<1000x128xf32>
    %get3A_12 = arith.constant 1 : index
    %get3A_13 = arith.constant 0 : index
    %get3A_14 = arith.constant 0 : index
    %get3A_15 = vector.load %arg3[%get3A_12, %get3A_13, %get3A_14] : memref<2x1000x128xf32, #tpu.memory_space<vmem>>, vector<1x1000x128xf32>
    %get3A_16 = vector.shape_cast %get3A_15 : vector<1x1000x128xf32> to vector<1000x128xf32>
    %add3A = arith.addf %get3A_11, %get3A_16 : vector<1000x128xf32>
    %broadcast_in_dim3A = vector.shape_cast %div3A_6 : vector<1000xf32> to vector<1000x1xf32>
    %mul3A = vector.broadcast %broadcast_in_dim3A : vector<1000x1xf32> to vector<1000x128xf32>
    %mul3A_17 = arith.mulf %add3A, %mul3A : vector<1000x128xf32>
    %get3A_18 = arith.constant 0 : index
    %get3A_19 = arith.constant 0 : index
    %get3A_20 = vector.load %arg5[%get3A_18, %get3A_19] : memref<128x384xf32, #tpu.memory_space<vmem>>, vector<128x384xf32>
    %get3A_21 = arith.constant 0 : index
    %get3A_22 = arith.constant 0 : index
    %get3A_23 = vector.load %arg1[%get3A_21, %get3A_22] : memref<1000x128xf32, #tpu.memory_space<vmem>>, vector<1000x128xf32>
    %slice3A = vector.extract_strided_slice %get3A_20 {offsets = [0, 0], sizes = [128, 128], strides = [1, 1]} : vector<128x384xf32> to vector<128x128xf32>
    %dot_general3A = arith.constant dense<0.000000e+00> : vector<1000x128xf32>
    %dot_general3A_24 = tpu.matmul %get3A_23, %slice3A, %dot_general3A {dimension_numbers = #tpu.dot_dimension_numbers<[1], [1], [0], [0], [0, 0, 1, 0], [], []>, transpose_lhs_hint = false} : vector<1000x128xf32>, vector<128x128xf32>, vector<1000x128xf32> -> vector<1000x128xf32>
    %get3A_25 = arith.constant 0 : index
    %get3A_26 = arith.constant 0 : index
    %get3A_27 = vector.load %arg2[%get3A_25, %get3A_26] : memref<1000x128xf32, #tpu.memory_space<vmem>>, vector<1000x128xf32>
    %slice3A_28 = vector.extract_strided_slice %get3A_20 {offsets = [0, 128], sizes = [128, 128], strides = [1, 1]} : vector<128x384xf32> to vector<128x128xf32>
    %dot_general3A_29 = arith.constant dense<0.000000e+00> : vector<1000x128xf32>
    %dot_general3A_30 = tpu.matmul %get3A_27, %slice3A_28, %dot_general3A_29 {dimension_numbers = #tpu.dot_dimension_numbers<[1], [1], [0], [0], [0, 0, 1, 0], [], []>, transpose_lhs_hint = false} : vector<1000x128xf32>, vector<128x128xf32>, vector<1000x128xf32> -> vector<1000x128xf32>
    %add3A_31 = arith.addf %dot_general3A_24, %dot_general3A_30 : vector<1000x128xf32>
    %slice3A_32 = vector.extract_strided_slice %get3A_20 {offsets = [0, 256], sizes = [128, 128], strides = [1, 1]} : vector<128x384xf32> to vector<128x128xf32>
    %dot_general3A_33 = arith.constant dense<0.000000e+00> : vector<1000x128xf32>
    %dot_general3A_34 = tpu.matmul %mul3A_17, %slice3A_32, %dot_general3A_33 {dimension_numbers = #tpu.dot_dimension_numbers<[1], [1], [0], [0], [0, 0, 1, 0], [], []>, transpose_lhs_hint = false} : vector<1000x128xf32>, vector<128x128xf32>, vector<1000x128xf32> -> vector<1000x128xf32>
    %add3A_35 = arith.addf %add3A_31, %dot_general3A_34 : vector<1000x128xf32>
    %get3A_36 = arith.constant 0 : index
    %get3A_37 = arith.constant 0 : index
    %get3A_38 = vector.load %arg6[%get3A_36, %get3A_37] : memref<1x128xf32, #tpu.memory_space<vmem>>, vector<1x128xf32>
    %add3A_39 = vector.broadcast %get3A_38 : vector<1x128xf32> to vector<1000x128xf32>
    %add3A_40 = arith.addf %add3A_35, %add3A_39 : vector<1000x128xf32>
    %swap3A = arith.constant 0 : index
    %swap3A_41 = arith.constant 0 : index
    %swap3A_42 = vector.load %arg7[%swap3A, %swap3A_41] : memref<1000x128xf32, #tpu.memory_space<vmem>>, vector<1000x128xf32>
    tpu.vector_store %arg7[%swap3A, %swap3A_41], %add3A_40 {strides = array<i32>} : memref<1000x128xf32, #tpu.memory_space<vmem>>, vector<1000x128xf32>,
    return
  }
  func.func @transform_0(%arg0: i32) -> (i32, i32) {
    %c0_i32 = arith.constant 0 : i32
    %c0_i32_0 = arith.constant 0 : i32
    return %arg0, %c0_i32 : i32, i32
  }
  func.func @transform_1(%arg0: i32) -> (i32, i32) {
    %c0_i32 = arith.constant 0 : i32
    %c0_i32_0 = arith.constant 0 : i32
    return %arg0, %c0_i32 : i32, i32
  }
  func.func @transform_2(%arg0: i32) -> (i32, i32, i32) {
    %c0_i32 = arith.constant 0 : i32
    %c0_i32_0 = arith.constant 0 : i32
    %c0_i32_1 = arith.constant 0 : i32
    return %c0_i32, %arg0, %c0_i32_0 : i32, i32, i32
  }
  func.func @transform_3(%arg0: i32) -> (i32, i32) {
    %c0_i32 = arith.constant 0 : i32
    %c0_i32_0 = arith.constant 0 : i32
    return %arg0, %c0_i32 : i32, i32
  }
  func.func @transform_4(%arg0: i32) -> (i32, i32) {
    %c0_i32 = arith.constant 0 : i32
    %c0_i32_0 = arith.constant 0 : i32
    %c0_i32_1 = arith.constant 0 : i32
    return %c0_i32, %c0_i32_0 : i32, i32
  }
  func.func @transform_5(%arg0: i32) -> (i32, i32) {
    %c0_i32 = arith.constant 0 : i32
    %c0_i32_0 = arith.constant 0 : i32
    %c0_i32_1 = arith.constant 0 : i32
    return %c0_i32, %c0_i32_0 : i32, i32
  }
  func.func @transform_6(%arg0: i32) -> (i32, i32) {
    %c0_i32 = arith.constant 0 : i32
    %c0_i32_0 = arith.constant 0 : i32
    return %arg0, %c0_i32 : i32, i32
  }
}

</mosaic_0001>

<sc_bundles>
// kernel: kernel.10.cloned.1.call-start
scs
__scs_entry_jumppad:
0x0: {  	(pc) =	sbr.rel $0x88, $3  }
0x1: {  	(tag) =	ssettag $0x0;
	lr =	simm.s32 $0x1  }
0x2: {  	[smem:$0x3F9D] =	sst lr;
	_ =	strace $0xD0000000  }
0x3: {  	_ = 	snop  }
0x4: {  	_ = 	snop  }
0x5: {  	_ = 	snop  }
0x6: {  	_ = 	snop  }
0x7: {  	_ = 	snop  }
__scs_overlays_trampoline_lowered:
0x8: {  	[smem:$0x3FAC] =	sst s0  }
0x9: {  	[smem:$0x3FAD] =	sst s1  }
0xa: {  	[smem:$0x3FAE] =	sst s2  }
0xb: {  	[smem:$0x3FAF] =	sst s3  }
0xc: {  	[smem:$0x3FB0] =	sst s4  }
0xd: {  	[smem:$0x3FB1] =	sst s5  }
0xe: {  	[smem:$0x3FB2] =	sst s6  }
0xf: {  	[smem:$0x3FB3] =	sst s7  }
0x10: {  	[smem:$0x3FB4] =	sst s8  }
0x11: {  	[smem:$0x3FB5] =	sst s9;
	s0 =	simm.s32 @!p0 $0x0  }
0x12: {  	s1 =	sld [smem:$0x3F9B];
	s0 =	simm.s32 @p0 $0x1  }
0x13: {  	[smem:$0x3FB6] =	sst s0;
	s0 =	simm.s32 @!p1 $0x0  }
0x14: {  	s2 =	sld [smem:$0x3F9A];
	s0 =	simm.s32 @p1 $0x1  }
0x15: {  	[smem:$0x3FB7] =	sst s0;
	s0 =	simm.s32 @!p2 $0x0  }
0x16: {  	s3 =	sld [smem:$0x3FDB];
	s0 =	simm.s32 @p2 $0x1  }
0x17: {  	s4 =	simm.s32 $0x1BF5;
	[smem:$0x3FB9] =	sst s0  }
0x18: {  	s0 =	sld [smem:$0x3F9C];
	_ =	swait.ge [sflag:s4], $0x0  }
0x19: {  	s7 =	sld [smem:$0x3F9D]  }
0x1a: {  	s8 =	sadd.s32 $0xFFFFE003, lr  }
0x1b: {  	s9 =	sadd.s32 $0xFFFFFEF7, lr;
	s5 =	simm.s32 $0xFFFFFFFF;
	p2 =	slt.u32 s8, $0xFFFFF086  }
0x1c: {  	p1 =	slt.u32 s9, $0xF7A;
	s5 =	simm.s32 @!p2 $0x0  }
0x1d: {  	s5 =	simm.s32 @p1 $0x1;
	p0 =	seq.s32 s7, s2  }
0x1e: {  	s7 =	smul.u32 @!p0 $0xF7A, s2;
	p2 =	seq.s32 @!p0 s5, $0x0  }
0x1f: {  	s9 =	smul.u32 $0xF7A, s1;
	s8 =	simm.s32 @!p0 $0x1BF5;
	p2 =	por !p2, p0  }
0x20: {  	[sflag:s8] =	ssyncset.s32 @!p0 $0xFFFFF086;
	s6 =	sadd.s32 @!p0 s3, s7;
	s7 =	simm.s32 @!p0 $0x108  }
0x21: {  	s3 =	sadd.s32 s3, s9;
	s6 =	sadd.s32 @!p0 $0x88, s6;
	s7 =	simm.s32 @p2 $0x1082  }
0x22: {  	[simem:s7], [sflag:s8] =	dma.local @!p0 [hbm:s6], $0xF7A  }
0x23: {  	s9 =	sor.u32 $0xD0000000, s2;
	s6 =	simm.s32 $0x108;
	_ =	swait.ge @!p0 [sflag:s8], $0x0  }
0x24: {  	s3 =	sadd.s32 $0x88, s3;
	s6 =	simm.s32 @!p1 $0x1082;
	[sflag:s4] =	ssyncset.s32 $0xFFFFF086  }
0x25: {  	[simem:s6], [sflag:s4] =	dma.local [hbm:s3], $0xF7A  }
0x26: {  	[smem:$0x3F9D] =	sst s1;
	(tag) =	ssettag s2;
	_ =	strace s9  }
0x27: {  	s1 =	sld [smem:$0x3FAD]  }
0x28: {  	s2 =	sld [smem:$0x3FAE]  }
0x29: {  	s4 =	sld [smem:$0x3FB0]  }
0x2a: {  	p0 =	seq.s32 s5, $0x0;
	s5 =	sld [smem:$0x3FB1]  }
0x2b: {  	s6 =	sld [smem:$0x3FB2]  }
0x2c: {  	s7 =	sld [smem:$0x3FB3]  }
0x2d: {  	s3 =	simm.s32 $0x108;
	s8 =	sld [smem:$0x3FB4]  }
0x2e: {  	s3 =	simm.s32 @!p0 $0x1082;
	s9 =	sld [smem:$0x3FB5]  }
0x2f: {  	lr =	sadd.s32 s0, s3;
	s0 =	sld [smem:$0x3FAC]  }
0x30: {  	s3 =	sld [smem:$0x3FAF]  }
0x31: {  	[smem:$0x3FB8] =	sst s10  }
0x32: {  	s10 =	sld [smem:$0x3FB6];
	_ =	sdelay $0x3  }
0x33: {  	p0 =	seq.s32 s10, $0x1;
	s10 =	sld [smem:$0x3FB8];
	_ =	sdelay $0x3  }
0x34: {  	[smem:$0x3FB8] =	sst s10  }
0x35: {  	s10 =	sld [smem:$0x3FB7];
	_ =	sdelay $0x3  }
0x36: {  	p1 =	seq.s32 s10, $0x1;
	s10 =	sld [smem:$0x3FB8];
	_ =	sdelay $0x3  }
0x37: {  	[smem:$0x3FB8] =	sst s10  }
0x38: {  	s10 =	sld [smem:$0x3FB9]  }
0x39: {  	_ = 	snop;
	(pc) =	sbr.ind lr, $3  }
0x3a: {  	_ = 	snop  }
0x3b: {  	_ = 	snop  }
0x3c: {  	p2 =	seq.s32 s10, $0x1;
	s10 =	sld [smem:$0x3FB8]  }
0x3d: {  	_ =	shalt  }
0x3e: {  	_ =	shalt  }
0x3f: {  	_ =	shalt  }
0x40: {  	_ =	shalt  }
0x41: {  	_ =	shalt  }
0x42: {  	_ =	shalt  }
0x43: {  	_ =	shalt  }
0x44: {  	_ =	shalt  }
0x45: {  	_ =	shalt  }
0x46: {  	_ =	shalt  }
0x47: {  	_ =	shalt  }
0x48: {  	_ =	shalt  }
0x49: {  	_ =	shalt  }
0x4a: {  	_ =	shalt  }
0x4b: {  	_ =	shalt  }
0x4c: {  	_ =	shalt  }
0x4d: {  	_ =	shalt  }
0x4e: {  	_ =	shalt  }
0x4f: {  	_ =	shalt  }
0x50: {  	_ =	shalt  }
0x51: {  	_ =	shalt  }
0x52: {  	_ =	shalt  }
0x53: {  	_ =	shalt  }
0x54: {  	_ =	shalt  }
0x55: {  	_ =	shalt  }
0x56: {  	_ =	shalt  }
0x57: {  	_ =	shalt  }
0x58: {  	_ =	shalt  }
0x59: {  	_ =	shalt  }
0x5a: {  	_ =	shalt  }
0x5b: {  	_ =	shalt  }
0x5c: {  	_ =	shalt  }
0x5d: {  	_ =	shalt  }
0x5e: {  	_ =	shalt  }
0x5f: {  	_ =	shalt  }
0x60: {  	_ =	shalt  }
0x61: {  	_ =	shalt  }
0x62: {  	_ =	shalt  }
0x63: {  	_ =	shalt  }
0x64: {  	_ =	shalt  }
0x65: {  	_ =	shalt  }
0x66: {  	_ =	shalt  }
0x67: {  	_ =	shalt  }
0x68: {  	_ =	shalt  }
0x69: {  	_ =	shalt  }
0x6a: {  	_ =	shalt  }
0x6b: {  	_ =	shalt  }
0x6c: {  	_ =	shalt  }
0x6d: {  	_ =	shalt  }
0x6e: {  	_ =	shalt  }
0x6f: {  	_ =	shalt  }
0x70: {  	_ =	shalt  }
0x71: {  	_ =	shalt  }
0x72: {  	_ =	shalt  }
0x73: {  	_ =	shalt  }
0x74: {  	_ =	shalt  }
0x75: {  	_ =	shalt  }
0x76: {  	_ =	shalt  }
0x77: {  	_ =	shalt  }
0x78: {  	_ =	shalt  }
0x79: {  	_ =	shalt  }
0x7a: {  	_ =	shalt  }
0x7b: {  	_ =	shalt  }
0x7c: {  	_ =	shalt  }
0x7d: {  	_ =	shalt  }
0x7e: {  	_ =	shalt  }
0x7f: {  	_ =	shalt  }
0x80: {  	_ =	shalt  }
0x81: {  	_ =	shalt  }
0x82: {  	_ =	shalt  }
0x83: {  	_ =	shalt  }
0x84: {  	_ =	shalt  }
0x85: {  	_ =	shalt  }
0x86: {  	_ =	shalt  }
0x87: {  	_ =	shalt  }
.Lfunc_end0:
.L_simem_size_0:
called_computation.1_lowered:
.L_overlay_start_0:
0x88: {  	s2 =	sld [smem:$0x3FD9]  }
0x89: {  	s3 =	sld [smem:$0x3FFE];
	_ =	sdelay $0x1  }
0x8a: {  	s1 =	srdreg.scid  }
0x8b: {  	s0 =	sand.u32 $0x1, s1  }
0x8c: {  	s17 =	sshll.u32 s0, $0xA;
	s2 =	sadd.s32 s3, s2  }
0x8d: {  	s2 =	sadd.s32 s2, s17  }
0x8e: {  	[smem:$0x3FC4] =	sst s2  }
0x8f: {  	_ = 	snop  }
0x90: {  	s18 =	sld [smem:$0x3FC9]  }
0x91: {  	s4 =	sld [smem:$0x3FD0];
	(tm) =	ssettm $0x1  }
0x92: {  	s19 =	sld [smem:$0x3FFB];
	_ =	sdelay $0x3  }
0x93: {  	_ =	strace s19  }
0x94: {  	s2 =	sld [smem:$0x3FFC];
	_ =	sdelay $0x3  }
0x95: {  	_ =	strace s2  }
0x96: {  	s2 =	sld [smem:$0x3FFD];
	_ =	sdelay $0x3  }
0x97: {  	_ =	strace s2  }
0x98: {  	_ =	strace $0x8FFFFFFF  }
0x99: {  	s20 =	sld [smem:$0x3FDB];
	_ =	sdelay $0x1  }
0x9a: {  	s5 =	simm.s32 $_scs_section_size  }
0x9b: {  	s6 =	simm.s32 $_size__tile_overlayer_lowered;
	s7 =	simm.s32 $_tile_overlayer_lowered  }
0x9c: {  	s8 =	simm.s32 $0x1BFF;
	s21 =	sshll.u32 s7, $0x1;
	s5 =	sadd.s32 s5, s20  }
0x9d: {  	s22 =	simm.s32 $0x0;
	s6 =	sshll.u32 s6, $0x1;
	s7 =	sadd.s32 s21, s5  }
0x9e: {  	[timem:s22], [sflag:s8] =	dma.local [hbm:s7], s6  }
0x9f: {  	_ =	swait.ge [sflag:s8], s6  }
0xa0: {  	s6 =	ssub.s32 $0x0, s6;
	[sflag:s8] =	ssyncset.done $0x0  }
0xa1: {  	[sflag:s8] =	ssyncadd.s32 s6;
	_ =	sdelay $0x1  }
0xa2: {  	s23 =	simm.s32 $0x1B8B  }
0xa3: {  	_ =	swait.ge [sflag:s23], $0x1  }
0xa4: {  	[sflag:s23] =	ssyncset.done $0x0  }
0xa5: {  	[sflag:s23] =	ssyncadd.s32 $0xFFFFFFFF  }
0xa6: {  	s6 =	sld [smem:$0x0]  }
0xa7: {  	s7 =	sand.u32 $0xFFFFFFFE, s1  }
0xa8: {  	p0 =	sne.s32 s1, s7  }
0xa9: {  	s7 =	sshll.u32 @p0 s7, $0xE  }
0xaa: {  	s7 =	sadd.s32 @p0 $0x11B8D, s7;
	s8 =	sshll.u32 @p0 s6, $0x11  }
0xab: {  	s7 =	sor.u32 @p0 s8, s7  }
0xac: {  	[sflag:s7] =	ssyncadd.remote.s32 @p0 $0x1;
	_ =	sdelay $0x1  }
0xad: {  	s7 =	simm.s32 @p0 $0x1B8D  }
0xae: {  	_ =	swait.eq @p0 [sflag:s7], $0x1  }
0xaf: {  	[sflag:s7] =	ssyncadd.s32 @p0 $0xFFFFFFFF  }
0xb0: {  	s8 =	sshll.u32 @!p0 s1, $0xE  }
0xb1: {  	s8 =	sor.u32 @!p0 $0x4000, s8;
	s7 =	simm.s32 @!p0 $0x1B8D  }
0xb2: {  	s6 =	sshll.u32 @!p0 s6, $0x11;
	s8 =	sadd.s32 @!p0 $0x11B8D, s8;
	_ =	swait.eq @!p0 [sflag:s7], $0x1  }
0xb3: {  	s6 =	sor.u32 @!p0 s6, s8;
	[sflag:s7] =	ssyncadd.s32 @!p0 $0xFFFFFFFF  }
0xb4: {  	s25 =	simm.s32 $0x1B8E;
	s24 =	sld [smem:$0x3FFE];
	[sflag:s6] =	ssyncadd.remote.s32 @!p0 $0x1  }
0xb5: {  	s26 =	simm.s32 $execute0_lowered;
	[smem:$0x3FD2] =	sst s25  }
0xb6: {  	s7 =	sshll.u32 s26, $0x1;
	_ =	strace $0x80000049;
	[dreg:$0x1] =	wrdreg $0xFFFFFFFF  }
0xb7: {  	s28 =	simm.s32 $_size_execute0_lowered;
	s5 =	sadd.s32 s5, s7;
	[dreg:$0x0] =	wrdreg $0x0  }
0xb8: {  	s7 =	sshll.u32 s28, $0x1;
	[dreg:$0x2] =	wrdreg s5  }
0xb9: {  	[dreg:$0x3] =	wrdreg s7  }
0xba: {  	[dreg:$0x4] =	wrdreg $0xC0  }
0xbb: {  	_ =	task [dreg:s22], $0x5FFFF  }
0xbc: {  	[dreg:$0x1] =	wrdreg $0xFFFFFFFF  }
0xbd: {  	[dreg:$0x0] =	wrdreg $0x60  }
0xbe: {  	[dreg:$0x2] =	wrdreg s18  }
0xbf: {  	[dreg:$0x3] =	wrdreg s4  }
0xc0: {  	[dreg:$0x4] =	wrdreg s24  }
0xc1: {  	[dreg:$0x5] =	wrdreg $0x90000  }
0xc2: {  	[dreg:$0x6] =	wrdreg $0xA  }
0xc3: {  	_ =	task.clear_ibuf [dreg:s22], $0x7FFFF;
	_ =	strace $0x90000049  }
0xc4: {  	s29 =	simm.s32 $0xA;
	_ =	strace $0x8000004B  }
0xc5: {  	_ =	swait.ge [sflag:s29], $0x1  }
0xc6: {  	[sflag:s29] =	ssyncadd.s32 $0xFFFFFFFF  }
0xc7: {  	_ =	strace $0x9000004B  }
0xc8: {  	_ =	sfence  }
0xc9: {  	s30 =	sld [smem:$0x0];
	_ =	sdelay $0x2  }
0xca: {  	s31 =	sshll.u32 s1, $0xD;
	s1 =	sshrl.u32 s1, $0x2  }
0xcb: {  	s4 =	sand.u32 $0x4000, s31;
	s1 =	sadd.s32 s1, s30  }
0xcc: {  	s0 =	sor.u32 s4, s0;
	s1 =	sshll.u32 s1, $0x11  }
0xcd: {  	s0 =	sor.u32 s1, s0  }
0xce: {  	s0 =	sadd.s32 $0x8F2B, s0  }
0xcf: {  	[sflag:s0] =	ssyncadd.remote.s32 $0x1  }
0xd0: {  	_ =	sfence.sel $0xFFFF  }
0xd1: {  	[dreg:$0x0] =	wrdreg $0xFFFFFFFF;
	(pc) =	sbr.abs _section_cstart, $3  }
0xd2: {  	[dreg:$0x1] =	wrdreg $0xFFFFFFFF  }
0xd3: {  	_ =	task.clear_ibuf [dreg:s22], $0x2FFFF;
	_ =	strace $0x9FFFFFFF  }
0xd4: {  	(tm) =	ssettm $0x7FFFFFFF  }
0xd5: {  	_ =	shalt  }
tec
execute0_lowered:
.L_overlay_start_1:
0x0: {  	(tag) =	ssettag $0x1  }
0x1: {  	s1 =	rddreg [dreg:$0x0]  }
0x2: {  	s5 =	rddreg [dreg:$0x1]  }
0x3: {  	s0 =	srdreg.scid;
	s7 =	rddreg [dreg:$0x2]  }
0x4: {  	s10 =	stileid.u32;
	s3 =	rddreg [dreg:$0x3]  }
0x5: {  	s4 =	simm.s32 $0x0;
	s11 =	simm.s32 $0x80;
	s12 =	simm.s32 $0x880  }
0x6: {  	s14 =	simm.s32 $0x100;
	s15 =	simm.s32 $0x180;
	s16 =	simm.s32 $0x900  }
0x7: {  	s17 =	simm.s32 $0x980;
	[smem:$0x7FF] =	sst s4;
	s24 =	sadd.s32 $0x1FA00, s7  }
0x8: {  	s18 =	simm.s32 $0x200;
	_ =	strace $0x8000004A;
	[dreg:$0x16] =	wrdreg s24  }
0x9: {  	s19 =	simm.s32 $0x280;
	s20 =	simm.s32 $0xA00;
	[dreg:$0x7] =	wrdreg s11  }
0xa: {  	s21 =	simm.s32 $0xA80;
	s28 =	simm.s32 $0x680;
	[dreg:$0x8] =	wrdreg s12  }
0xb: {  	s29 =	simm.s32 $0xE00;
	s30 =	simm.s32 $0xE80;
	[dreg:$0x9] =	wrdreg s14  }
0xc: {  	s31 =	simm.s32 $0x700;
	s6 =	smul.u32 $0x2800, s10;
	[dreg:$0xa] =	wrdreg s15  }
0xd: {  	s0 =	sand.u32 $0x1, s0;
	s9 =	smul.u32 $0x14000, s10;
	[dreg:$0xb] =	wrdreg s16  }
0xe: {  	s26 =	smul.u32 $0x50000, s10;
	s13 =	sshll.u32 s10, $0x6;
	[dreg:$0xc] =	wrdreg s17  }
0xf: {  	s10 =	simm.s32 $0x5;
	s2 =	smul.u32 $0x28000, s0;
	[dreg:$0xd] =	wrdreg s18  }
0x10: {  	s8 =	smul.u32 $0x140000, s0;
	s0 =	ssub.s32 $0x2, s0;
	[dreg:$0xe] =	wrdreg s19  }
0x11: {  	s11 =	simm.s32 $0x800;
	s12 =	simm.s32 $0x7D;
	[dreg:$0xf] =	wrdreg s20  }
0x12: {  	[dreg:$0x10] =	wrdreg s21;
	s14 =	simm.s32 $0x1;
	s15 =	simm.s32 $0x5000  }
0x13: {  	s24 =	simm.s32 $0xB00;
	s16 =	simm.s32 $0x2;
	s17 =	simm.s32 $0x3  }
0x14: {  	s18 =	simm.s32 $0x4;
	s19 =	simm.s32 $0x480;
	s20 =	simm.s32 $0xC00  }
0x15: {  	s21 =	simm.s32 $0xC80;
	s25 =	sshrl.u32 s0, $0x1;
	[dreg:$0x13] =	wrdreg s24  }
0x16: {  	s24 =	simm.s32 $0xD00;
	s2 =	sadd.s32 s6, s2;
	s22 =	sadd.s32 s9, s8  }
0x17: {  	s0 =	ssub.s32 s0, s25;
	s9 =	sshrl.u32 s26, $0x2;
	s25 =	simm.s32 $0xB80  }
0x18: {  	s26 =	simm.s32 $0x400;
	s2 =	sshrl.u32 s2, $0x3;
	s6 =	sshrl.u32 s22, $0x3  }
0x19: {  	s0 =	smax.u32 s0, $0x1;
	s22 =	simm.s32 $0x300;
	[dreg:$0x14] =	wrdreg s25  }
0x1a: {  	[dreg:$0x15] =	wrdreg s26;
	s25 =	simm.s32 $0xD80;
	s26 =	simm.s32 $0x600  }
0x1b: {  	s23 =	sadd.s32 s2, s7;
	s6 =	sadd.s32 s6, s7;
	[dreg:$0x19] =	wrdreg s0  }
0x1c: {  	s2 =	sadd.s32 s2, s5;
	s5 =	sadd.s32 s9, s3;
	[dreg:$0x11] =	wrdreg s22  }
0x1d: {  	s7 =	sor.u32 $0x1C05, s13;
	s13 =	simm.s32 $0x1000;
	[dreg:$0x6] =	wrdreg s2  }
0x1e: {  	s22 =	simm.s32 $0x500;
	s8 =	sadd.s32 $0x15A00, s23;
	[dreg:$0x17] =	wrdreg s7  }
0x1f: {  	s0 =	simm.s32 $0xF00;
	s6 =	sadd.s32 $0x22200, s6;
	[dreg:$0x5] =	wrdreg s8  }
0x20: {  	s9 =	simm.s32 $0x0;
	s23 =	simm.s32 $0x380;
	[dreg:$0x18] =	wrdreg s6  }
0x21: {  	s2 =	simm.s32 $0x780;
	s8 =	sshrl.u32 s5, $0x3;
	[dreg:$0x12] =	wrdreg s23  }
0x22: {  	s23 =	simm.s32 $0x580;
	s5 =	simm.s32 $0xF80;
	[dreg:$0x1a] =	wrdreg s8  }
.LBB2_1:
0x23: {  	[dreg:$0x1b] =	wrdreg s9  }
0x24: {  	s6 =	rddreg [dreg:$0x16]  }
0x25: {  	[spmem:s8], [sflag:s7] =	dma.local [hbm:s6], $0x2800  }
0x26: {  	_ =	swait.ge [sflag:s10], $0x2800  }
0x27: {  	[sflag:s10] =	ssyncset.done $0x0  }
0x28: {  	[sflag:s10] =	ssyncadd.s32 $0xFFFFD800  }
0x29: {  	[bflag:$0x0] =	sbarrier.arrive $0xFFFF  }
0x2a: {  	s7 =	rddreg [dreg:$0x6]  }
0x2b: {  	s6 =	sadd.s32 $0x0, s7  }
0x2c: {  	[tilespmem:s4], [sflag:$0x5] =	stream.linear.gather [hbm4b:s6+s4], $0x800, $0x38;
	[tilespmem:$0x1D000] =	vst v63  }
0x2d: {  	_ =	swait.ge [sflag:s10], $0x800  }
0x2e: {  	s8 =	rddreg [dreg:$0x5];
	[sflag:s10] =	ssyncset.done $0x0  }
0x2f: {  	[sflag:s10] =	ssyncadd.s32 $0xFFFFF800;
	s6 =	sadd.s32 $0x0, s8  }
0x30: {  	[tilespmem:s11], [sflag:$0x5] =	stream.linear.gather [hbm4b:s6+s4], $0x800, $0x38;
	[tilespmem:$0x1D000] =	vst v63  }
0x31: {  	_ =	swait.ge [sflag:s10], $0x800  }
0x32: {  	[sflag:s10] =	ssyncset.done $0x0  }
0x33: {  	[sflag:s10] =	ssyncadd.s32 $0xFFFFF800  }
0x34: {  	[tilespmem:s13], [sflag:$0x1] =	stream.indirect.gather [hbm4b:s1+s12], $0x80, s4, s12, $0xb8;
	[tilespmem:$0x1D000] =	vst v63  }
0x35: {  	_ =	swait.ge [sflag:s14], $0x3E80  }
0x36: {  	[sflag:s14] =	ssyncset.done $0x0  }
0x37: {  	s9 =	rddreg [dreg:$0x7];
	[sflag:s14] =	ssyncadd.s32 $0xFFFFC180  }
0x38: {  	[tilespmem:s15], [sflag:$0x2] =	stream.indirect.gather [hbm4b:s1+s12], $0x80, s9, s12, $0xb8;
	[tilespmem:$0x1D000] =	vst v63  }
0x39: {  	_ = 	snop  }
0x3a: {  	[spmem:s3] =	stream.indirect.scatter.add.f32 [tilespmem:s13], [sflag:$0x3], $0x80, s11, s12, $0xb8;
	[tilespmem:$0x1D000] =	vst v63  }
0x3b: {  	_ =	swait.ge [sflag:s16], $0x3E80  }
0x3c: {  	[sflag:s16] =	ssyncset.done $0x0  }
0x3d: {  	s7 =	rddreg [dreg:$0x8];
	[sflag:s16] =	ssyncadd.s32 $0xFFFFC180  }
0x3e: {  	[spmem:s3] =	stream.indirect.scatter.add.f32 [tilespmem:s15], [sflag:$0x4], $0x80, s7, s12, $0xb8;
	[tilespmem:$0x1D000] =	vst v63  }
0x3f: {  	_ =	swait.ge [sflag:s17], $0x3E80  }
0x40: {  	[sflag:s17] =	ssyncset.done $0x0  }
0x41: {  	s8 =	rddreg [dreg:$0x9];
	[sflag:s17] =	ssyncadd.s32 $0xFFFFC180  }
0x42: {  	[tilespmem:s13], [sflag:$0x1] =	stream.indirect.gather [hbm4b:s1+s12], $0x80, s8, s12, $0xb8;
	[tilespmem:$0x1D000] =	vst v63  }
0x43: {  	_ =	swait.ge [sflag:s18], $0x3E80  }
0x44: {  	[sflag:s18] =	ssyncset.done $0x0  }
0x45: {  	[sflag:s18] =	ssyncadd.s32 $0xFFFFC180  }
0x46: {  	_ =	swait.ge [sflag:s14], $0x3E80  }
0x47: {  	[sflag:s14] =	ssyncset.done $0x0  }
0x48: {  	s9 =	rddreg [dreg:$0xa];
	[sflag:s14] =	ssyncadd.s32 $0xFFFFC180  }
0x49: {  	[tilespmem:s15], [sflag:$0x2] =	stream.indirect.gather [hbm4b:s1+s12], $0x80, s9, s12, $0xb8;
	[tilespmem:$0x1D000] =	vst v63  }
0x4a: {  	s7 =	rddreg [dreg:$0xb]  }
0x4b: {  	[spmem:s3] =	stream.indirect.scatter.add.f32 [tilespmem:s13], [sflag:$0x3], $0x80, s7, s12, $0xb8;
	[tilespmem:$0x1D000] =	vst v63  }
0x4c: {  	_ =	swait.ge [sflag:s16], $0x3E80  }
0x4d: {  	[sflag:s16] =	ssyncset.done $0x0  }
0x4e: {  	s9 =	rddreg [dreg:$0xc];
	[sflag:s16] =	ssyncadd.s32 $0xFFFFC180  }
0x4f: {  	[spmem:s3] =	stream.indirect.scatter.add.f32 [tilespmem:s15], [sflag:$0x4], $0x80, s9, s12, $0xb8;
	[tilespmem:$0x1D000] =	vst v63  }
0x50: {  	_ =	swait.ge [sflag:s17], $0x3E80  }
0x51: {  	[sflag:s17] =	ssyncset.done $0x0  }
0x52: {  	s7 =	rddreg [dreg:$0xd];
	[sflag:s17] =	ssyncadd.s32 $0xFFFFC180  }
0x53: {  	[tilespmem:s13], [sflag:$0x1] =	stream.indirect.gather [hbm4b:s1+s12], $0x80, s7, s12, $0xb8;
	[tilespmem:$0x1D000] =	vst v63  }
0x54: {  	_ =	swait.ge [sflag:s18], $0x3E80  }
0x55: {  	[sflag:s18] =	ssyncset.done $0x0  }
0x56: {  	[sflag:s18] =	ssyncadd.s32 $0xFFFFC180  }
0x57: {  	_ =	swait.ge [sflag:s14], $0x3E80  }
0x58: {  	[sflag:s14] =	ssyncset.done $0x0  }
0x59: {  	s8 =	rddreg [dreg:$0xe];
	[sflag:s14] =	ssyncadd.s32 $0xFFFFC180  }
0x5a: {  	[tilespmem:s15], [sflag:$0x2] =	stream.indirect.gather [hbm4b:s1+s12], $0x80, s8, s12, $0xb8;
	[tilespmem:$0x1D000] =	vst v63  }
0x5b: {  	s9 =	rddreg [dreg:$0xf]  }
0x5c: {  	[spmem:s3] =	stream.indirect.scatter.add.f32 [tilespmem:s13], [sflag:$0x3], $0x80, s9, s12, $0xb8;
	[tilespmem:$0x1D000] =	vst v63  }
0x5d: {  	_ =	swait.ge [sflag:s16], $0x3E80  }
0x5e: {  	[sflag:s16] =	ssyncset.done $0x0  }
0x5f: {  	s7 =	rddreg [dreg:$0x10];
	[sflag:s16] =	ssyncadd.s32 $0xFFFFC180  }
0x60: {  	[spmem:s3] =	stream.indirect.scatter.add.f32 [tilespmem:s15], [sflag:$0x4], $0x80, s7, s12, $0xb8;
	[tilespmem:$0x1D000] =	vst v63  }
0x61: {  	_ =	swait.ge [sflag:s17], $0x3E80  }
0x62: {  	[sflag:s17] =	ssyncset.done $0x0  }
0x63: {  	s8 =	rddreg [dreg:$0x11];
	[sflag:s17] =	ssyncadd.s32 $0xFFFFC180  }
0x64: {  	[tilespmem:s13], [sflag:$0x1] =	stream.indirect.gather [hbm4b:s1+s12], $0x80, s8, s12, $0xb8;
	[tilespmem:$0x1D000] =	vst v63  }
0x65: {  	_ =	swait.ge [sflag:s18], $0x3E80  }
0x66: {  	[sflag:s18] =	ssyncset.done $0x0  }
0x67: {  	[sflag:s18] =	ssyncadd.s32 $0xFFFFC180  }
0x68: {  	_ =	swait.ge [sflag:s14], $0x3E80  }
0x69: {  	[sflag:s14] =	ssyncset.done $0x0  }
0x6a: {  	s9 =	rddreg [dreg:$0x12];
	[sflag:s14] =	ssyncadd.s32 $0xFFFFC180  }
0x6b: {  	[tilespmem:s15], [sflag:$0x2] =	stream.indirect.gather [hbm4b:s1+s12], $0x80, s9, s12, $0xb8;
	[tilespmem:$0x1D000] =	vst v63  }
0x6c: {  	s7 =	rddreg [dreg:$0x13]  }
0x6d: {  	[spmem:s3] =	stream.indirect.scatter.add.f32 [tilespmem:s13], [sflag:$0x3], $0x80, s7, s12, $0xb8;
	[tilespmem:$0x1D000] =	vst v63  }
0x6e: {  	_ =	swait.ge [sflag:s16], $0x3E80  }
0x6f: {  	[sflag:s16] =	ssyncset.done $0x0  }
0x70: {  	s8 =	rddreg [dreg:$0x14];
	[sflag:s16] =	ssyncadd.s32 $0xFFFFC180  }
0x71: {  	[spmem:s3] =	stream.indirect.scatter.add.f32 [tilespmem:s15], [sflag:$0x4], $0x80, s8, s12, $0xb8;
	[tilespmem:$0x1D000] =	vst v63  }
0x72: {  	_ =	swait.ge [sflag:s17], $0x3E80  }
0x73: {  	[sflag:s17] =	ssyncset.done $0x0  }
0x74: {  	s9 =	rddreg [dreg:$0x15];
	[sflag:s17] =	ssyncadd.s32 $0xFFFFC180  }
0x75: {  	[tilespmem:s13], [sflag:$0x1] =	stream.indirect.gather [hbm4b:s1+s12], $0x80, s9, s12, $0xb8;
	[tilespmem:$0x1D000] =	vst v63  }
0x76: {  	_ =	swait.ge [sflag:s18], $0x3E80  }
0x77: {  	[sflag:s18] =	ssyncset.done $0x0  }
0x78: {  	[sflag:s18] =	ssyncadd.s32 $0xFFFFC180  }
0x79: {  	_ =	swait.ge [sflag:s14], $0x3E80  }
0x7a: {  	[sflag:s14] =	ssyncset.done $0x0  }
0x7b: {  	[sflag:s14] =	ssyncadd.s32 $0xFFFFC180  }
0x7c: {  	[tilespmem:s15], [sflag:$0x2] =	stream.indirect.gather [hbm4b:s1+s12], $0x80, s19, s12, $0xb8;
	[tilespmem:$0x1D000] =	vst v63  }
0x7d: {  	_ = 	snop  }
0x7e: {  	[spmem:s3] =	stream.indirect.scatter.add.f32 [tilespmem:s13], [sflag:$0x3], $0x80, s20, s12, $0xb8;
	[tilespmem:$0x1D000] =	vst v63  }
0x7f: {  	_ =	swait.ge [sflag:s16], $0x3E80  }
0x80: {  	[sflag:s16] =	ssyncset.done $0x0  }
0x81: {  	[sflag:s16] =	ssyncadd.s32 $0xFFFFC180  }
0x82: {  	[spmem:s3] =	stream.indirect.scatter.add.f32 [tilespmem:s15], [sflag:$0x4], $0x80, s21, s12, $0xb8;
	[tilespmem:$0x1D000] =	vst v63  }
0x83: {  	_ =	swait.ge [sflag:s17], $0x3E80  }
0x84: {  	[sflag:s17] =	ssyncset.done $0x0  }
0x85: {  	[sflag:s17] =	ssyncadd.s32 $0xFFFFC180  }
0x86: {  	[tilespmem:s13], [sflag:$0x1] =	stream.indirect.gather [hbm4b:s1+s12], $0x80, s22, s12, $0xb8;
	[tilespmem:$0x1D000] =	vst v63  }
0x87: {  	_ =	swait.ge [sflag:s18], $0x3E80  }
0x88: {  	[sflag:s18] =	ssyncset.done $0x0  }
0x89: {  	[sflag:s18] =	ssyncadd.s32 $0xFFFFC180  }
0x8a: {  	_ =	swait.ge [sflag:s14], $0x3E80  }
0x8b: {  	[sflag:s14] =	ssyncset.done $0x0  }
0x8c: {  	[sflag:s14] =	ssyncadd.s32 $0xFFFFC180  }
0x8d: {  	[tilespmem:s15], [sflag:$0x2] =	stream.indirect.gather [hbm4b:s1+s12], $0x80, s23, s12, $0xb8;
	[tilespmem:$0x1D000] =	vst v63  }
0x8e: {  	_ = 	snop  }
0x8f: {  	[spmem:s3] =	stream.indirect.scatter.add.f32 [tilespmem:s13], [sflag:$0x3], $0x80, s24, s12, $0xb8;
	[tilespmem:$0x1D000] =	vst v63  }
0x90: {  	_ =	swait.ge [sflag:s16], $0x3E80  }
0x91: {  	[sflag:s16] =	ssyncset.done $0x0  }
0x92: {  	[sflag:s16] =	ssyncadd.s32 $0xFFFFC180  }
0x93: {  	[spmem:s3] =	stream.indirect.scatter.add.f32 [tilespmem:s15], [sflag:$0x4], $0x80, s25, s12, $0xb8;
	[tilespmem:$0x1D000] =	vst v63  }
0x94: {  	_ =	swait.ge [sflag:s17], $0x3E80  }
0x95: {  	[sflag:s17] =	ssyncset.done $0x0  }
0x96: {  	[sflag:s17] =	ssyncadd.s32 $0xFFFFC180  }
0x97: {  	[tilespmem:s13], [sflag:$0x1] =	stream.indirect.gather [hbm4b:s1+s12], $0x80, s26, s12, $0xb8;
	[tilespmem:$0x1D000] =	vst v63  }
0x98: {  	_ =	swait.ge [sflag:s18], $0x3E80  }
0x99: {  	[sflag:s18] =	ssyncset.done $0x0  }
0x9a: {  	[sflag:s18] =	ssyncadd.s32 $0xFFFFC180  }
0x9b: {  	_ =	swait.ge [sflag:s14], $0x3E80  }
0x9c: {  	[sflag:s14] =	ssyncset.done $0x0  }
0x9d: {  	[sflag:s14] =	ssyncadd.s32 $0xFFFFC180  }
0x9e: {  	[tilespmem:s15], [sflag:$0x2] =	stream.indirect.gather [hbm4b:s1+s12], $0x80, s28, s12, $0xb8;
	[tilespmem:$0x1D000] =	vst v63  }
0x9f: {  	_ = 	snop  }
0xa0: {  	[spmem:s3] =	stream.indirect.scatter.add.f32 [tilespmem:s13], [sflag:$0x3], $0x80, s29, s12, $0xb8;
	[tilespmem:$0x1D000] =	vst v63  }
0xa1: {  	_ =	swait.ge [sflag:s16], $0x3E80  }
0xa2: {  	[sflag:s16] =	ssyncset.done $0x0  }
0xa3: {  	[sflag:s16] =	ssyncadd.s32 $0xFFFFC180  }
0xa4: {  	[spmem:s3] =	stream.indirect.scatter.add.f32 [tilespmem:s15], [sflag:$0x4], $0x80, s30, s12, $0xb8;
	[tilespmem:$0x1D000] =	vst v63  }
0xa5: {  	_ =	swait.ge [sflag:s17], $0x3E80  }
0xa6: {  	[sflag:s17] =	ssyncset.done $0x0  }
0xa7: {  	[sflag:s17] =	ssyncadd.s32 $0xFFFFC180  }
0xa8: {  	[tilespmem:s13], [sflag:$0x1] =	stream.indirect.gather [hbm4b:s1+s12], $0x80, s31, s12, $0xb8;
	[tilespmem:$0x1D000] =	vst v63  }
0xa9: {  	_ =	swait.ge [sflag:s18], $0x3E80  }
0xaa: {  	[sflag:s18] =	ssyncset.done $0x0  }
0xab: {  	[sflag:s18] =	ssyncadd.s32 $0xFFFFC180  }
0xac: {  	_ =	swait.ge [sflag:s14], $0x3E80  }
0xad: {  	[sflag:s14] =	ssyncset.done $0x0  }
0xae: {  	[sflag:s14] =	ssyncadd.s32 $0xFFFFC180  }
0xaf: {  	[tilespmem:s15], [sflag:$0x2] =	stream.indirect.gather [hbm4b:s1+s12], $0x80, s2, s12, $0xb8;
	[tilespmem:$0x1D000] =	vst v63  }
0xb0: {  	_ = 	snop  }
0xb1: {  	[spmem:s3] =	stream.indirect.scatter.add.f32 [tilespmem:s13], [sflag:$0x3], $0x80, s0, s12, $0xb8;
	[tilespmem:$0x1D000] =	vst v63  }
0xb2: {  	_ =	swait.ge [sflag:s16], $0x3E80  }
0xb3: {  	[sflag:s16] =	ssyncset.done $0x0  }
0xb4: {  	[sflag:s16] =	ssyncadd.s32 $0xFFFFC180  }
0xb5: {  	[spmem:s3] =	stream.indirect.scatter.add.f32 [tilespmem:s15], [sflag:$0x4], $0x80, s5, s12, $0xb8;
	[tilespmem:$0x1D000] =	vst v63  }
0xb6: {  	_ =	swait.ge [sflag:s17], $0x3E80  }
0xb7: {  	[sflag:s17] =	ssyncset.done $0x0  }
0xb8: {  	[sflag:s17] =	ssyncadd.s32 $0xFFFFC180  }
0xb9: {  	s6 =	simm.s32 $0x200;
	_ =	swait.ge [sflag:s18], $0x3E80  }
0xba: {  	s8 =	simm.s32 $0x100;
	s9 =	rddreg [dreg:$0x6];
	[sflag:s18] =	ssyncset.done $0x0  }
.LBB2_2:
0xbb: {  	[sflag:s18] =	ssyncadd.s32 $0xFFFFC180;
	s9 =	sadd.s32 s8, s9  }
0xbc: {  	[tilespmem:s4], [sflag:$0x5] =	stream.linear.gather [hbm4b:s9+s4], $0x800, $0x38;
	[tilespmem:$0x1D000] =	vst v63  }
0xbd: {  	_ =	swait.ge [sflag:s10], $0x800  }
0xbe: {  	s9 =	rddreg [dreg:$0x5];
	[sflag:s10] =	ssyncset.done $0x0  }
0xbf: {  	[sflag:s10] =	ssyncadd.s32 $0xFFFFF800;
	s9 =	sadd.s32 s8, s9  }
0xc0: {  	[tilespmem:s11], [sflag:$0x5] =	stream.linear.gather [hbm4b:s9+s4], $0x800, $0x38;
	[tilespmem:$0x1D000] =	vst v63  }
0xc1: {  	_ =	swait.ge [sflag:s10], $0x800  }
0xc2: {  	[sflag:s10] =	ssyncset.done $0x0  }
0xc3: {  	[sflag:s10] =	ssyncadd.s32 $0xFFFFF800  }
0xc4: {  	[tilespmem:s13], [sflag:$0x1] =	stream.indirect.gather [hbm4b:s1+s12], $0x80, s4, s12, $0xb8;
	[tilespmem:$0x1D000] =	vst v63  }
0xc5: {  	_ =	swait.ge [sflag:s14], $0x3E80  }
0xc6: {  	[sflag:s14] =	ssyncset.done $0x0  }
0xc7: {  	s9 =	rddreg [dreg:$0x7];
	[sflag:s14] =	ssyncadd.s32 $0xFFFFC180  }
0xc8: {  	[tilespmem:s15], [sflag:$0x2] =	stream.indirect.gather [hbm4b:s1+s12], $0x80, s9, s12, $0xb8;
	[tilespmem:$0x1D000] =	vst v63  }
0xc9: {  	_ = 	snop  }
0xca: {  	[spmem:s3] =	stream.indirect.scatter.add.f32 [tilespmem:s13], [sflag:$0x3], $0x80, s11, s12, $0xb8;
	[tilespmem:$0x1D000] =	vst v63  }
0xcb: {  	_ =	swait.ge [sflag:s16], $0x3E80  }
0xcc: {  	[sflag:s16] =	ssyncset.done $0x0  }
0xcd: {  	s9 =	rddreg [dreg:$0x8];
	[sflag:s16] =	ssyncadd.s32 $0xFFFFC180  }
0xce: {  	[spmem:s3] =	stream.indirect.scatter.add.f32 [tilespmem:s15], [sflag:$0x4], $0x80, s9, s12, $0xb8;
	[tilespmem:$0x1D000] =	vst v63  }
0xcf: {  	_ =	swait.ge [sflag:s17], $0x3E80  }
0xd0: {  	[sflag:s17] =	ssyncset.done $0x0  }
0xd1: {  	s9 =	rddreg [dreg:$0x9];
	[sflag:s17] =	ssyncadd.s32 $0xFFFFC180  }
0xd2: {  	[tilespmem:s13], [sflag:$0x1] =	stream.indirect.gather [hbm4b:s1+s12], $0x80, s9, s12, $0xb8;
	[tilespmem:$0x1D000] =	vst v63  }
0xd3: {  	_ =	swait.ge [sflag:s18], $0x3E80  }
0xd4: {  	[sflag:s18] =	ssyncset.done $0x0  }
0xd5: {  	[sflag:s18] =	ssyncadd.s32 $0xFFFFC180  }
0xd6: {  	_ =	swait.ge [sflag:s14], $0x3E80  }
0xd7: {  	s7 =	smov.u32 s6;
	[sflag:s14] =	ssyncset.done $0x0  }
0xd8: {  	s8 =	smov.u32 s7;
	s7 =	rddreg [dreg:$0xa];
	[sflag:s14] =	ssyncadd.s32 $0xFFFFC180  }
0xd9: {  	[tilespmem:s15], [sflag:$0x2] =	stream.indirect.gather [hbm4b:s1+s12], $0x80, s7, s12, $0xb8;
	[tilespmem:$0x1D000] =	vst v63  }
0xda: {  	s9 =	rddreg [dreg:$0xb]  }
0xdb: {  	[spmem:s3] =	stream.indirect.scatter.add.f32 [tilespmem:s13], [sflag:$0x3], $0x80, s9, s12, $0xb8;
	[tilespmem:$0x1D000] =	vst v63  }
0xdc: {  	_ =	swait.ge [sflag:s16], $0x3E80  }
0xdd: {  	[sflag:s16] =	ssyncset.done $0x0  }
0xde: {  	s9 =	rddreg [dreg:$0xc];
	[sflag:s16] =	ssyncadd.s32 $0xFFFFC180  }
0xdf: {  	[spmem:s3] =	stream.indirect.scatter.add.f32 [tilespmem:s15], [sflag:$0x4], $0x80, s9, s12, $0xb8;
	[tilespmem:$0x1D000] =	vst v63  }
0xe0: {  	_ =	swait.ge [sflag:s17], $0x3E80  }
0xe1: {  	[sflag:s17] =	ssyncset.done $0x0  }
0xe2: {  	s9 =	rddreg [dreg:$0xd];
	[sflag:s17] =	ssyncadd.s32 $0xFFFFC180  }
0xe3: {  	[tilespmem:s13], [sflag:$0x1] =	stream.indirect.gather [hbm4b:s1+s12], $0x80, s9, s12, $0xb8;
	[tilespmem:$0x1D000] =	vst v63  }
0xe4: {  	_ =	swait.ge [sflag:s18], $0x3E80  }
0xe5: {  	[sflag:s18] =	ssyncset.done $0x0  }
0xe6: {  	[sflag:s18] =	ssyncadd.s32 $0xFFFFC180  }
0xe7: {  	_ =	swait.ge [sflag:s14], $0x3E80  }
0xe8: {  	[sflag:s14] =	ssyncset.done $0x0  }
0xe9: {  	s7 =	rddreg [dreg:$0xe];
	[sflag:s14] =	ssyncadd.s32 $0xFFFFC180  }
0xea: {  	[tilespmem:s15], [sflag:$0x2] =	stream.indirect.gather [hbm4b:s1+s12], $0x80, s7, s12, $0xb8;
	[tilespmem:$0x1D000] =	vst v63  }
0xeb: {  	s9 =	rddreg [dreg:$0xf]  }
0xec: {  	[spmem:s3] =	stream.indirect.scatter.add.f32 [tilespmem:s13], [sflag:$0x3], $0x80, s9, s12, $0xb8;
	[tilespmem:$0x1D000] =	vst v63  }
0xed: {  	_ =	swait.ge [sflag:s16], $0x3E80  }
0xee: {  	[sflag:s16] =	ssyncset.done $0x0  }
0xef: {  	s9 =	rddreg [dreg:$0x10];
	[sflag:s16] =	ssyncadd.s32 $0xFFFFC180  }
0xf0: {  	[spmem:s3] =	stream.indirect.scatter.add.f32 [tilespmem:s15], [sflag:$0x4], $0x80, s9, s12, $0xb8;
	[tilespmem:$0x1D000] =	vst v63  }
0xf1: {  	_ =	swait.ge [sflag:s17], $0x3E80  }
0xf2: {  	[sflag:s17] =	ssyncset.done $0x0  }
0xf3: {  	s9 =	rddreg [dreg:$0x11];
	[sflag:s17] =	ssyncadd.s32 $0xFFFFC180  }
0xf4: {  	[tilespmem:s13], [sflag:$0x1] =	stream.indirect.gather [hbm4b:s1+s12], $0x80, s9, s12, $0xb8;
	[tilespmem:$0x1D000] =	vst v63  }
0xf5: {  	_ =	swait.ge [sflag:s18], $0x3E80  }
0xf6: {  	[sflag:s18] =	ssyncset.done $0x0  }
0xf7: {  	[sflag:s18] =	ssyncadd.s32 $0xFFFFC180  }
0xf8: {  	_ =	swait.ge [sflag:s14], $0x3E80  }
0xf9: {  	[sflag:s14] =	ssyncset.done $0x0  }
0xfa: {  	s7 =	rddreg [dreg:$0x12];
	[sflag:s14] =	ssyncadd.s32 $0xFFFFC180  }
0xfb: {  	[tilespmem:s15], [sflag:$0x2] =	stream.indirect.gather [hbm4b:s1+s12], $0x80, s7, s12, $0xb8;
	[tilespmem:$0x1D000] =	vst v63  }
0xfc: {  	s9 =	rddreg [dreg:$0x13]  }
0xfd: {  	[spmem:s3] =	stream.indirect.scatter.add.f32 [tilespmem:s13], [sflag:$0x3], $0x80, s9, s12, $0xb8;
	[tilespmem:$0x1D000] =	vst v63  }
0xfe: {  	_ =	swait.ge [sflag:s16], $0x3E80  }
0xff: {  	[sflag:s16] =	ssyncset.done $0x0  }
0x100: {  	s9 =	rddreg [dreg:$0x14];
	[sflag:s16] =	ssyncadd.s32 $0xFFFFC180  }
0x101: {  	[spmem:s3] =	stream.indirect.scatter.add.f32 [tilespmem:s15], [sflag:$0x4], $0x80, s9, s12, $0xb8;
	[tilespmem:$0x1D000] =	vst v63  }
0x102: {  	_ =	swait.ge [sflag:s17], $0x3E80  }
0x103: {  	[sflag:s17] =	ssyncset.done $0x0  }
0x104: {  	s9 =	rddreg [dreg:$0x15];
	[sflag:s17] =	ssyncadd.s32 $0xFFFFC180  }
0x105: {  	[tilespmem:s13], [sflag:$0x1] =	stream.indirect.gather [hbm4b:s1+s12], $0x80, s9, s12, $0xb8;
	[tilespmem:$0x1D000] =	vst v63  }
0x106: {  	_ =	swait.ge [sflag:s18], $0x3E80  }
0x107: {  	[sflag:s18] =	ssyncset.done $0x0  }
0x108: {  	[sflag:s18] =	ssyncadd.s32 $0xFFFFC180  }
0x109: {  	_ =	swait.ge [sflag:s14], $0x3E80  }
0x10a: {  	[sflag:s14] =	ssyncset.done $0x0  }
0x10b: {  	[sflag:s14] =	ssyncadd.s32 $0xFFFFC180  }
0x10c: {  	[tilespmem:s15], [sflag:$0x2] =	stream.indirect.gather [hbm4b:s1+s12], $0x80, s19, s12, $0xb8;
	[tilespmem:$0x1D000] =	vst v63  }
0x10d: {  	_ = 	snop  }
0x10e: {  	[spmem:s3] =	stream.indirect.scatter.add.f32 [tilespmem:s13], [sflag:$0x3], $0x80, s20, s12, $0xb8;
	[tilespmem:$0x1D000] =	vst v63  }
0x10f: {  	_ =	swait.ge [sflag:s16], $0x3E80  }
0x110: {  	[sflag:s16] =	ssyncset.done $0x0  }
0x111: {  	[sflag:s16] =	ssyncadd.s32 $0xFFFFC180  }
0x112: {  	[spmem:s3] =	stream.indirect.scatter.add.f32 [tilespmem:s15], [sflag:$0x4], $0x80, s21, s12, $0xb8;
	[tilespmem:$0x1D000] =	vst v63  }
0x113: {  	_ =	swait.ge [sflag:s17], $0x3E80  }
0x114: {  	[sflag:s17] =	ssyncset.done $0x0  }
0x115: {  	[sflag:s17] =	ssyncadd.s32 $0xFFFFC180  }
0x116: {  	[tilespmem:s13], [sflag:$0x1] =	stream.indirect.gather [hbm4b:s1+s12], $0x80, s22, s12, $0xb8;
	[tilespmem:$0x1D000] =	vst v63  }
0x117: {  	_ =	swait.ge [sflag:s18], $0x3E80  }
0x118: {  	[sflag:s18] =	ssyncset.done $0x0  }
0x119: {  	[sflag:s18] =	ssyncadd.s32 $0xFFFFC180  }
0x11a: {  	_ =	swait.ge [sflag:s14], $0x3E80  }
0x11b: {  	[sflag:s14] =	ssyncset.done $0x0  }
0x11c: {  	[sflag:s14] =	ssyncadd.s32 $0xFFFFC180  }
0x11d: {  	[tilespmem:s15], [sflag:$0x2] =	stream.indirect.gather [hbm4b:s1+s12], $0x80, s23, s12, $0xb8;
	[tilespmem:$0x1D000] =	vst v63  }
0x11e: {  	_ = 	snop  }
0x11f: {  	[spmem:s3] =	stream.indirect.scatter.add.f32 [tilespmem:s13], [sflag:$0x3], $0x80, s24, s12, $0xb8;
	[tilespmem:$0x1D000] =	vst v63  }
0x120: {  	_ =	swait.ge [sflag:s16], $0x3E80  }
0x121: {  	[sflag:s16] =	ssyncset.done $0x0  }
0x122: {  	[sflag:s16] =	ssyncadd.s32 $0xFFFFC180  }
0x123: {  	[spmem:s3] =	stream.indirect.scatter.add.f32 [tilespmem:s15], [sflag:$0x4], $0x80, s25, s12, $0xb8;
	[tilespmem:$0x1D000] =	vst v63  }
0x124: {  	_ =	swait.ge [sflag:s17], $0x3E80  }
0x125: {  	[sflag:s17] =	ssyncset.done $0x0  }
0x126: {  	[sflag:s17] =	ssyncadd.s32 $0xFFFFC180  }
0x127: {  	[tilespmem:s13], [sflag:$0x1] =	stream.indirect.gather [hbm4b:s1+s12], $0x80, s26, s12, $0xb8;
	[tilespmem:$0x1D000] =	vst v63  }
0x128: {  	_ =	swait.ge [sflag:s18], $0x3E80  }
0x129: {  	[sflag:s18] =	ssyncset.done $0x0  }
0x12a: {  	[sflag:s18] =	ssyncadd.s32 $0xFFFFC180  }
0x12b: {  	_ =	swait.ge [sflag:s14], $0x3E80  }
0x12c: {  	[sflag:s14] =	ssyncset.done $0x0  }
0x12d: {  	[sflag:s14] =	ssyncadd.s32 $0xFFFFC180  }
0x12e: {  	[tilespmem:s15], [sflag:$0x2] =	stream.indirect.gather [hbm4b:s1+s12], $0x80, s28, s12, $0xb8;
	[tilespmem:$0x1D000] =	vst v63  }
0x12f: {  	_ = 	snop  }
0x130: {  	[spmem:s3] =	stream.indirect.scatter.add.f32 [tilespmem:s13], [sflag:$0x3], $0x80, s29, s12, $0xb8;
	[tilespmem:$0x1D000] =	vst v63  }
0x131: {  	_ =	swait.ge [sflag:s16], $0x3E80  }
0x132: {  	[sflag:s16] =	ssyncset.done $0x0  }
0x133: {  	[sflag:s16] =	ssyncadd.s32 $0xFFFFC180  }
0x134: {  	[spmem:s3] =	stream.indirect.scatter.add.f32 [tilespmem:s15], [sflag:$0x4], $0x80, s30, s12, $0xb8;
	[tilespmem:$0x1D000] =	vst v63  }
0x135: {  	_ =	swait.ge [sflag:s17], $0x3E80  }
0x136: {  	[sflag:s17] =	ssyncset.done $0x0  }
0x137: {  	[sflag:s17] =	ssyncadd.s32 $0xFFFFC180  }
0x138: {  	[tilespmem:s13], [sflag:$0x1] =	stream.indirect.gather [hbm4b:s1+s12], $0x80, s31, s12, $0xb8;
	[tilespmem:$0x1D000] =	vst v63  }
0x139: {  	_ =	swait.ge [sflag:s18], $0x3E80  }
0x13a: {  	[sflag:s18] =	ssyncset.done $0x0  }
0x13b: {  	[sflag:s18] =	ssyncadd.s32 $0xFFFFC180  }
0x13c: {  	_ =	swait.ge [sflag:s14], $0x3E80  }
0x13d: {  	[sflag:s14] =	ssyncset.done $0x0  }
0x13e: {  	[sflag:s14] =	ssyncadd.s32 $0xFFFFC180  }
0x13f: {  	[tilespmem:s15], [sflag:$0x2] =	stream.indirect.gather [hbm4b:s1+s12], $0x80, s2, s12, $0xb8;
	[tilespmem:$0x1D000] =	vst v63  }
0x140: {  	_ = 	snop  }
0x141: {  	[spmem:s3] =	stream.indirect.scatter.add.f32 [tilespmem:s13], [sflag:$0x3], $0x80, s0, s12, $0xb8;
	[tilespmem:$0x1D000] =	vst v63  }
0x142: {  	_ =	swait.ge [sflag:s16], $0x3E80  }
0x143: {  	[sflag:s16] =	ssyncset.done $0x0  }
0x144: {  	p0 =	sne.s32 s6, $0x400;
	[sflag:s16] =	ssyncadd.s32 $0xFFFFC180  }
0x145: {  	[spmem:s3] =	stream.indirect.scatter.add.f32 [tilespmem:s15], [sflag:$0x4], $0x80, s5, s12, $0xb8;
	[tilespmem:$0x1D000] =	vst v63  }
.Ltmp0:
0x146: {  	_ =	swait.ge [sflag:s17], $0x3E80;
	(pc) =	sbr.rel @p0 .LBB2_2-.Ltmp0, $4  }
0x147: {  	[sflag:s17] =	ssyncset.done $0x0  }
0x148: {  	[sflag:s17] =	ssyncadd.s32 $0xFFFFC180  }
0x149: {  	_ =	swait.ge [sflag:s18], $0x3E80  }
0x14a: {  	s6 =	sadd.s32 $0x100, s6;
	s9 =	rddreg [dreg:$0x6];
	[sflag:s18] =	ssyncset.done $0x0  }
0x14b: {  	[sflag:s18] =	ssyncadd.s32 $0xFFFFC180;
	s6 =	sadd.s32 s8, s9  }
0x14c: {  	[tilespmem:s4], [sflag:$0x5] =	stream.linear.gather [hbm4b:s6+s4], $0x800, $0x38;
	[tilespmem:$0x1D000] =	vst v63  }
0x14d: {  	_ =	swait.ge [sflag:s10], $0x800  }
0x14e: {  	s7 =	rddreg [dreg:$0x5];
	[sflag:s10] =	ssyncset.done $0x0  }
0x14f: {  	[sflag:s10] =	ssyncadd.s32 $0xFFFFF800;
	s6 =	sadd.s32 s8, s7  }
0x150: {  	[tilespmem:s11], [sflag:$0x5] =	stream.linear.gather [hbm4b:s6+s4], $0x800, $0x38;
	[tilespmem:$0x1D000] =	vst v63  }
0x151: {  	_ =	swait.ge [sflag:s10], $0x800  }
0x152: {  	[sflag:s10] =	ssyncset.done $0x0  }
0x153: {  	[sflag:s10] =	ssyncadd.s32 $0xFFFFF800  }
0x154: {  	[tilespmem:s13], [sflag:$0x1] =	stream.indirect.gather [hbm4b:s1+s12], $0x80, s4, s12, $0xb8;
	[tilespmem:$0x1D000] =	vst v63  }
0x155: {  	_ =	swait.ge [sflag:s14], $0x3E80  }
0x156: {  	[sflag:s14] =	ssyncset.done $0x0  }
0x157: {  	s9 =	rddreg [dreg:$0x7];
	[sflag:s14] =	ssyncadd.s32 $0xFFFFC180  }
0x158: {  	[tilespmem:s15], [sflag:$0x2] =	stream.indirect.gather [hbm4b:s1+s12], $0x80, s9, s12, $0xb8;
	[tilespmem:$0x1D000] =	vst v63  }
0x159: {  	_ = 	snop  }
0x15a: {  	[spmem:s3] =	stream.indirect.scatter.add.f32 [tilespmem:s13], [sflag:$0x3], $0x80, s11, s12, $0xb8;
	[tilespmem:$0x1D000] =	vst v63  }
0x15b: {  	_ =	swait.ge [sflag:s16], $0x3E80  }
0x15c: {  	[sflag:s16] =	ssyncset.done $0x0  }
0x15d: {  	s7 =	rddreg [dreg:$0x8];
	[sflag:s16] =	ssyncadd.s32 $0xFFFFC180  }
0x15e: {  	[spmem:s3] =	stream.indirect.scatter.add.f32 [tilespmem:s15], [sflag:$0x4], $0x80, s7, s12, $0xb8;
	[tilespmem:$0x1D000] =	vst v63  }
0x15f: {  	_ =	swait.ge [sflag:s17], $0x3E80  }
0x160: {  	[sflag:s17] =	ssyncset.done $0x0  }
0x161: {  	s8 =	rddreg [dreg:$0x9];
	[sflag:s17] =	ssyncadd.s32 $0xFFFFC180  }
0x162: {  	[tilespmem:s13], [sflag:$0x1] =	stream.indirect.gather [hbm4b:s1+s12], $0x80, s8, s12, $0xb8;
	[tilespmem:$0x1D000] =	vst v63  }
0x163: {  	_ =	swait.ge [sflag:s18], $0x3E80  }
0x164: {  	[sflag:s18] =	ssyncset.done $0x0  }
0x165: {  	[sflag:s18] =	ssyncadd.s32 $0xFFFFC180  }
0x166: {  	_ =	swait.ge [sflag:s14], $0x3E80  }
0x167: {  	[sflag:s14] =	ssyncset.done $0x0  }
0x168: {  	s9 =	rddreg [dreg:$0xa];
	[sflag:s14] =	ssyncadd.s32 $0xFFFFC180  }
0x169: {  	[tilespmem:s15], [sflag:$0x2] =	stream.indirect.gather [hbm4b:s1+s12], $0x80, s9, s12, $0xb8;
	[tilespmem:$0x1D000] =	vst v63  }
0x16a: {  	s7 =	rddreg [dreg:$0xb]  }
0x16b: {  	[spmem:s3] =	stream.indirect.scatter.add.f32 [tilespmem:s13], [sflag:$0x3], $0x80, s7, s12, $0xb8;
	[tilespmem:$0x1D000] =	vst v63  }
0x16c: {  	_ =	swait.ge [sflag:s16], $0x3E80  }
0x16d: {  	[sflag:s16] =	ssyncset.done $0x0  }
0x16e: {  	s8 =	rddreg [dreg:$0xc];
	[sflag:s16] =	ssyncadd.s32 $0xFFFFC180  }
0x16f: {  	[spmem:s3] =	stream.indirect.scatter.add.f32 [tilespmem:s15], [sflag:$0x4], $0x80, s8, s12, $0xb8;
	[tilespmem:$0x1D000] =	vst v63  }
0x170: {  	_ =	swait.ge [sflag:s17], $0x3E80  }
0x171: {  	[sflag:s17] =	ssyncset.done $0x0  }
0x172: {  	s9 =	rddreg [dreg:$0xd];
	[sflag:s17] =	ssyncadd.s32 $0xFFFFC180  }
0x173: {  	[tilespmem:s13], [sflag:$0x1] =	stream.indirect.gather [hbm4b:s1+s12], $0x80, s9, s12, $0xb8;
	[tilespmem:$0x1D000] =	vst v63  }
0x174: {  	_ =	swait.ge [sflag:s18], $0x3E80  }
0x175: {  	[sflag:s18] =	ssyncset.done $0x0  }
0x176: {  	[sflag:s18] =	ssyncadd.s32 $0xFFFFC180  }
0x177: {  	_ =	swait.ge [sflag:s14], $0x3E80  }
0x178: {  	[sflag:s14] =	ssyncset.done $0x0  }
0x179: {  	s7 =	rddreg [dreg:$0xe];
	[sflag:s14] =	ssyncadd.s32 $0xFFFFC180  }
0x17a: {  	[tilespmem:s15], [sflag:$0x2] =	stream.indirect.gather [hbm4b:s1+s12], $0x80, s7, s12, $0xb8;
	[tilespmem:$0x1D000] =	vst v63  }
0x17b: {  	s8 =	rddreg [dreg:$0xf]  }
0x17c: {  	[spmem:s3] =	stream.indirect.scatter.add.f32 [tilespmem:s13], [sflag:$0x3], $0x80, s8, s12, $0xb8;
	[tilespmem:$0x1D000] =	vst v63  }
0x17d: {  	_ =	swait.ge [sflag:s16], $0x3E80  }
0x17e: {  	[sflag:s16] =	ssyncset.done $0x0  }
0x17f: {  	s9 =	rddreg [dreg:$0x10];
	[sflag:s16] =	ssyncadd.s32 $0xFFFFC180  }
0x180: {  	[spmem:s3] =	stream.indirect.scatter.add.f32 [tilespmem:s15], [sflag:$0x4], $0x80, s9, s12, $0xb8;
	[tilespmem:$0x1D000] =	vst v63  }
0x181: {  	_ =	swait.ge [sflag:s17], $0x3E80  }
0x182: {  	[sflag:s17] =	ssyncset.done $0x0  }
0x183: {  	s7 =	rddreg [dreg:$0x11];
	[sflag:s17] =	ssyncadd.s32 $0xFFFFC180  }
0x184: {  	[tilespmem:s13], [sflag:$0x1] =	stream.indirect.gather [hbm4b:s1+s12], $0x80, s7, s12, $0xb8;
	[tilespmem:$0x1D000] =	vst v63  }
0x185: {  	_ =	swait.ge [sflag:s18], $0x3E80  }
0x186: {  	[sflag:s18] =	ssyncset.done $0x0  }
0x187: {  	[sflag:s18] =	ssyncadd.s32 $0xFFFFC180  }
0x188: {  	_ =	swait.ge [sflag:s14], $0x3E80  }
0x189: {  	[sflag:s14] =	ssyncset.done $0x0  }
0x18a: {  	s8 =	rddreg [dreg:$0x12];
	[sflag:s14] =	ssyncadd.s32 $0xFFFFC180  }
0x18b: {  	[tilespmem:s15], [sflag:$0x2] =	stream.indirect.gather [hbm4b:s1+s12], $0x80, s8, s12, $0xb8;
	[tilespmem:$0x1D000] =	vst v63  }
0x18c: {  	s9 =	rddreg [dreg:$0x13]  }
0x18d: {  	[spmem:s3] =	stream.indirect.scatter.add.f32 [tilespmem:s13], [sflag:$0x3], $0x80, s9, s12, $0xb8;
	[tilespmem:$0x1D000] =	vst v63  }
0x18e: {  	_ =	swait.ge [sflag:s16], $0x3E80  }
0x18f: {  	[sflag:s16] =	ssyncset.done $0x0  }
0x190: {  	s7 =	rddreg [dreg:$0x14];
	[sflag:s16] =	ssyncadd.s32 $0xFFFFC180  }
0x191: {  	[spmem:s3] =	stream.indirect.scatter.add.f32 [tilespmem:s15], [sflag:$0x4], $0x80, s7, s12, $0xb8;
	[tilespmem:$0x1D000] =	vst v63  }
0x192: {  	_ =	swait.ge [sflag:s17], $0x3E80  }
0x193: {  	[sflag:s17] =	ssyncset.done $0x0  }
0x194: {  	s8 =	rddreg [dreg:$0x15];
	[sflag:s17] =	ssyncadd.s32 $0xFFFFC180  }
0x195: {  	[tilespmem:s13], [sflag:$0x1] =	stream.indirect.gather [hbm4b:s1+s12], $0x80, s8, s12, $0xb8;
	[tilespmem:$0x1D000] =	vst v63  }
0x196: {  	_ =	swait.ge [sflag:s18], $0x3E80  }
0x197: {  	[sflag:s18] =	ssyncset.done $0x0  }
0x198: {  	[sflag:s18] =	ssyncadd.s32 $0xFFFFC180  }
0x199: {  	_ =	swait.ge [sflag:s14], $0x3E80  }
0x19a: {  	[sflag:s14] =	ssyncset.done $0x0  }
0x19b: {  	[sflag:s14] =	ssyncadd.s32 $0xFFFFC180  }
0x19c: {  	[tilespmem:s15], [sflag:$0x2] =	stream.indirect.gather [hbm4b:s1+s12], $0x80, s19, s12, $0xb8;
	[tilespmem:$0x1D000] =	vst v63  }
0x19d: {  	_ = 	snop  }
0x19e: {  	[spmem:s3] =	stream.indirect.scatter.add.f32 [tilespmem:s13], [sflag:$0x3], $0x80, s20, s12, $0xb8;
	[tilespmem:$0x1D000] =	vst v63  }
0x19f: {  	_ =	swait.ge [sflag:s16], $0x3E80  }
0x1a0: {  	[sflag:s16] =	ssyncset.done $0x0  }
0x1a1: {  	[sflag:s16] =	ssyncadd.s32 $0xFFFFC180  }
0x1a2: {  	[spmem:s3] =	stream.indirect.scatter.add.f32 [tilespmem:s15], [sflag:$0x4], $0x80, s21, s12, $0xb8;
	[tilespmem:$0x1D000] =	vst v63  }
0x1a3: {  	_ =	swait.ge [sflag:s17], $0x3E80  }
0x1a4: {  	[sflag:s17] =	ssyncset.done $0x0  }
0x1a5: {  	[sflag:s17] =	ssyncadd.s32 $0xFFFFC180  }
0x1a6: {  	[tilespmem:s13], [sflag:$0x1] =	stream.indirect.gather [hbm4b:s1+s12], $0x80, s22, s12, $0xb8;
	[tilespmem:$0x1D000] =	vst v63  }
0x1a7: {  	_ =	swait.ge [sflag:s18], $0x3E80  }
0x1a8: {  	[sflag:s18] =	ssyncset.done $0x0  }
0x1a9: {  	[sflag:s18] =	ssyncadd.s32 $0xFFFFC180  }
0x1aa: {  	_ =	swait.ge [sflag:s14], $0x3E80  }
0x1ab: {  	[sflag:s14] =	ssyncset.done $0x0  }
0x1ac: {  	[sflag:s14] =	ssyncadd.s32 $0xFFFFC180  }
0x1ad: {  	[tilespmem:s15], [sflag:$0x2] =	stream.indirect.gather [hbm4b:s1+s12], $0x80, s23, s12, $0xb8;
	[tilespmem:$0x1D000] =	vst v63  }
0x1ae: {  	_ = 	snop  }
0x1af: {  	[spmem:s3] =	stream.indirect.scatter.add.f32 [tilespmem:s13], [sflag:$0x3], $0x80, s24, s12, $0xb8;
	[tilespmem:$0x1D000] =	vst v63  }
0x1b0: {  	_ =	swait.ge [sflag:s16], $0x3E80  }
0x1b1: {  	[sflag:s16] =	ssyncset.done $0x0  }
0x1b2: {  	[sflag:s16] =	ssyncadd.s32 $0xFFFFC180  }
0x1b3: {  	[spmem:s3] =	stream.indirect.scatter.add.f32 [tilespmem:s15], [sflag:$0x4], $0x80, s25, s12, $0xb8;
	[tilespmem:$0x1D000] =	vst v63  }
0x1b4: {  	_ =	swait.ge [sflag:s17], $0x3E80  }
0x1b5: {  	[sflag:s17] =	ssyncset.done $0x0  }
0x1b6: {  	[sflag:s17] =	ssyncadd.s32 $0xFFFFC180  }
0x1b7: {  	[tilespmem:s13], [sflag:$0x1] =	stream.indirect.gather [hbm4b:s1+s12], $0x80, s26, s12, $0xb8;
	[tilespmem:$0x1D000] =	vst v63  }
0x1b8: {  	_ =	swait.ge [sflag:s18], $0x3E80  }
0x1b9: {  	[sflag:s18] =	ssyncset.done $0x0  }
0x1ba: {  	[sflag:s18] =	ssyncadd.s32 $0xFFFFC180  }
0x1bb: {  	_ =	swait.ge [sflag:s14], $0x3E80  }
0x1bc: {  	[sflag:s14] =	ssyncset.done $0x0  }
0x1bd: {  	[sflag:s14] =	ssyncadd.s32 $0xFFFFC180  }
0x1be: {  	[tilespmem:s15], [sflag:$0x2] =	stream.indirect.gather [hbm4b:s1+s12], $0x80, s28, s12, $0xb8;
	[tilespmem:$0x1D000] =	vst v63  }
0x1bf: {  	_ = 	snop  }
0x1c0: {  	[spmem:s3] =	stream.indirect.scatter.add.f32 [tilespmem:s13], [sflag:$0x3], $0x80, s29, s12, $0xb8;
	[tilespmem:$0x1D000] =	vst v63  }
0x1c1: {  	_ =	swait.ge [sflag:s16], $0x3E80  }
0x1c2: {  	[sflag:s16] =	ssyncset.done $0x0  }
0x1c3: {  	[sflag:s16] =	ssyncadd.s32 $0xFFFFC180  }
0x1c4: {  	[spmem:s3] =	stream.indirect.scatter.add.f32 [tilespmem:s15], [sflag:$0x4], $0x80, s30, s12, $0xb8;
	[tilespmem:$0x1D000] =	vst v63  }
0x1c5: {  	_ =	swait.ge [sflag:s17], $0x3E80  }
0x1c6: {  	[sflag:s17] =	ssyncset.done $0x0  }
0x1c7: {  	[sflag:s17] =	ssyncadd.s32 $0xFFFFC180  }
0x1c8: {  	[tilespmem:s13], [sflag:$0x1] =	stream.indirect.gather [hbm4b:s1+s12], $0x80, s31, s12, $0xb8;
	[tilespmem:$0x1D000] =	vst v63  }
0x1c9: {  	_ =	swait.ge [sflag:s18], $0x3E80  }
0x1ca: {  	[sflag:s18] =	ssyncset.done $0x0  }
0x1cb: {  	[sflag:s18] =	ssyncadd.s32 $0xFFFFC180  }
0x1cc: {  	_ =	swait.ge [sflag:s14], $0x3E80  }
0x1cd: {  	[sflag:s14] =	ssyncset.done $0x0  }
0x1ce: {  	[sflag:s14] =	ssyncadd.s32 $0xFFFFC180  }
0x1cf: {  	[tilespmem:s15], [sflag:$0x2] =	stream.indirect.gather [hbm4b:s1+s12], $0x80, s2, s12, $0xb8;
	[tilespmem:$0x1D000] =	vst v63  }
0x1d0: {  	_ = 	snop  }
0x1d1: {  	[spmem:s3] =	stream.indirect.scatter.add.f32 [tilespmem:s13], [sflag:$0x3], $0x80, s0, s12, $0xb8;
	[tilespmem:$0x1D000] =	vst v63  }
0x1d2: {  	_ =	swait.ge [sflag:s16], $0x3E80  }
0x1d3: {  	[sflag:s16] =	ssyncset.done $0x0  }
0x1d4: {  	[sflag:s16] =	ssyncadd.s32 $0xFFFFC180  }
0x1d5: {  	[spmem:s3] =	stream.indirect.scatter.add.f32 [tilespmem:s15], [sflag:$0x4], $0x80, s5, s12, $0xb8;
	[tilespmem:$0x1D000] =	vst v63  }
0x1d6: {  	_ =	swait.ge [sflag:s17], $0x3E80  }
0x1d7: {  	[sflag:s17] =	ssyncset.done $0x0  }
0x1d8: {  	[sflag:s17] =	ssyncadd.s32 $0xFFFFC180  }
0x1d9: {  	_ =	swait.ge [sflag:s18], $0x3E80  }
0x1da: {  	[sflag:s18] =	ssyncset.done $0x0  }
0x1db: {  	[sflag:s18] =	ssyncadd.s32 $0xFFFFC180  }
0x1dc: {  	[bflag:$0x0] =	sbarrier.arrive $0xFFFF  }
0x1dd: {  	s7 =	rddreg [dreg:$0x17]  }
0x1de: {  	s9 =	rddreg [dreg:$0x18]  }
0x1df: {  	s8 =	rddreg [dreg:$0x1a]  }
0x1e0: {  	[hbm:s9], [sflag:s7] =	dma.local [spmem:s8], $0x2800  }
0x1e1: {  	_ =	swait.ge [sflag:s10], $0x2800  }
0x1e2: {  	s6 =	rddreg [dreg:$0x1b]  }
0x1e3: {  	s9 =	sadd.s32 $0x1, s6;
	s6 =	rddreg [dreg:$0x19]  }
0x1e4: {  	p0 =	sne.s32 s9, s6  }
.Ltmp1:
0x1e5: {  	_ = 	snop;
	(pc) =	sbr.rel @p0 .LBB2_1-.Ltmp1, $3  }
0x1e6: {  	_ =	sdelay $0x1  }
0x1e7: {  	[sflag:s10] =	ssyncset.done $0x0  }
0x1e8: {  	[sflag:s10] =	ssyncadd.s32 $0xFFFFD800  }
0x1e9: {  	_ =	sfence.sel $0x180000  }
0x1ea: {  	[bflag:$0x0] =	sbarrier.arrive $0xFFFF  }
0x1eb: {  	_ =	strace $0x9000004A  }
0x1ec: {  	s0 =	stileid.u32;
	[bflag:$0x2] =	sbarrier.arrive $0xFFFF  }
0x1ed: {  	p0 =	sne.s32 s0, $0x0;
	s0 =	rddreg [dreg:$0x4]  }
0x1ee: {  	s0 =	sadd.s32 @!p0 $0x100000, s0  }
0x1ef: {  	[sflag:s0] =	ssyncadd.tile.s32 @!p0 $0x1;
	_ =	shalt  }
.Lfunc_end2:
_tile_overlayer_lowered:
.L_overlay_start_2:
0x1f0: {  	(tag) =	ssettag $0x2  }
0x1f1: {  	s0 =	rddreg [dreg:$0x0];
	s2 =	stileid.u32  }
0x1f2: {  	s1 =	rddreg [dreg:$0x1];
	p0 =	sne.s32 s2, $0x0  }
0x1f3: {  	s3 =	rddreg [dreg:$0x2];
	[bflag:$0x3] =	sbarrier.arrive $0xFFFF;
	s2 =	simm.s32 @!p0 $0x1C05  }
0x1f4: {  	[timem:s3], [sflag:s2] =	dma.local @!p0 [hbm:s0], s1  }
0x1f5: {  	s0 =	simm.s32 @!p0 $0x5  }
0x1f6: {  	_ =	swait.ge @!p0 [sflag:s0], s1  }
0x1f7: {  	s1 =	ssub.s32 @!p0 $0x0, s1;
	[sflag:s0] =	ssyncset.done @!p0 $0x0  }
0x1f8: {  	[sflag:s0] =	ssyncadd.s32 @!p0 s1  }
0x1f9: {  	[bflag:$0x3] =	sbarrier.arrive $0xFFFF  }
0x1fa: {  	_ =	shalt  }

// kernel: kernel.13.cloned.1.call-start
scs
__scs_entry_jumppad:
0x0: {  	(pc) =	sbr.rel $0x88, $3  }
0x1: {  	(tag) =	ssettag $0x0;
	lr =	simm.s32 $0x1  }
0x2: {  	[smem:$0x3F9D] =	sst lr;
	_ =	strace $0xD0000000  }
0x3: {  	_ = 	snop  }
0x4: {  	_ = 	snop  }
0x5: {  	_ = 	snop  }
0x6: {  	_ = 	snop  }
0x7: {  	_ = 	snop  }
__scs_overlays_trampoline_lowered:
0x8: {  	[smem:$0x3FAC] =	sst s0  }
0x9: {  	[smem:$0x3FAD] =	sst s1  }
0xa: {  	[smem:$0x3FAE] =	sst s2  }
0xb: {  	[smem:$0x3FAF] =	sst s3  }
0xc: {  	[smem:$0x3FB0] =	sst s4  }
0xd: {  	[smem:$0x3FB1] =	sst s5  }
0xe: {  	[smem:$0x3FB2] =	sst s6  }
0xf: {  	[smem:$0x3FB3] =	sst s7  }
0x10: {  	[smem:$0x3FB4] =	sst s8  }
0x11: {  	[smem:$0x3FB5] =	sst s9;
	s0 =	simm.s32 @!p0 $0x0  }
0x12: {  	s1 =	sld [smem:$0x3F9B];
	s0 =	simm.s32 @p0 $0x1  }
0x13: {  	[smem:$0x3FB6] =	sst s0;
	s0 =	simm.s32 @!p1 $0x0  }
0x14: {  	s2 =	sld [smem:$0x3F9A];
	s0 =	simm.s32 @p1 $0x1  }
0x15: {  	[smem:$0x3FB7] =	sst s0;
	s0 =	simm.s32 @!p2 $0x0  }
0x16: {  	s3 =	sld [smem:$0x3FDB];
	s0 =	simm.s32 @p2 $0x1  }
0x17: {  	s4 =	simm.s32 $0x1BF5;
	[smem:$0x3FB9] =	sst s0  }
0x18: {  	s0 =	sld [smem:$0x3F9C];
	_ =	swait.ge [sflag:s4], $0x0  }
0x19: {  	s7 =	sld [smem:$0x3F9D]  }
0x1a: {  	s8 =	sadd.s32 $0xFFFFE003, lr  }
0x1b: {  	s9 =	sadd.s32 $0xFFFFFEF7, lr;
	s5 =	simm.s32 $0xFFFFFFFF;
	p2 =	slt.u32 s8, $0xFFFFF086  }
0x1c: {  	p1 =	slt.u32 s9, $0xF7A;
	s5 =	simm.s32 @!p2 $0x0  }
0x1d: {  	s5 =	simm.s32 @p1 $0x1;
	p0 =	seq.s32 s7, s2  }
0x1e: {  	s7 =	smul.u32 @!p0 $0xF7A, s2;
	p2 =	seq.s32 @!p0 s5, $0x0  }
0x1f: {  	s9 =	smul.u32 $0xF7A, s1;
	s8 =	simm.s32 @!p0 $0x1BF5;
	p2 =	por !p2, p0  }
0x20: {  	[sflag:s8] =	ssyncset.s32 @!p0 $0xFFFFF086;
	s6 =	sadd.s32 @!p0 s3, s7;
	s7 =	simm.s32 @!p0 $0x108  }
0x21: {  	s3 =	sadd.s32 s3, s9;
	s6 =	sadd.s32 @!p0 $0x88, s6;
	s7 =	simm.s32 @p2 $0x1082  }
0x22: {  	[simem:s7], [sflag:s8] =	dma.local @!p0 [hbm:s6], $0xF7A  }
0x23: {  	s9 =	sor.u32 $0xD0000000, s2;
	s6 =	simm.s32 $0x108;
	_ =	swait.ge @!p0 [sflag:s8], $0x0  }
0x24: {  	s3 =	sadd.s32 $0x88, s3;
	s6 =	simm.s32 @!p1 $0x1082;
	[sflag:s4] =	ssyncset.s32 $0xFFFFF086  }
0x25: {  	[simem:s6], [sflag:s4] =	dma.local [hbm:s3], $0xF7A  }
0x26: {  	[smem:$0x3F9D] =	sst s1;
	(tag) =	ssettag s2;
	_ =	strace s9  }
0x27: {  	s1 =	sld [smem:$0x3FAD]  }
0x28: {  	s2 =	sld [smem:$0x3FAE]  }
0x29: {  	s4 =	sld [smem:$0x3FB0]  }
0x2a: {  	p0 =	seq.s32 s5, $0x0;
	s5 =	sld [smem:$0x3FB1]  }
0x2b: {  	s6 =	sld [smem:$0x3FB2]  }
0x2c: {  	s7 =	sld [smem:$0x3FB3]  }
0x2d: {  	s3 =	simm.s32 $0x108;
	s8 =	sld [smem:$0x3FB4]  }
0x2e: {  	s3 =	simm.s32 @!p0 $0x1082;
	s9 =	sld [smem:$0x3FB5]  }
0x2f: {  	lr =	sadd.s32 s0, s3;
	s0 =	sld [smem:$0x3FAC]  }
0x30: {  	s3 =	sld [smem:$0x3FAF]  }
0x31: {  	[smem:$0x3FB8] =	sst s10  }
0x32: {  	s10 =	sld [smem:$0x3FB6];
	_ =	sdelay $0x3  }
0x33: {  	p0 =	seq.s32 s10, $0x1;
	s10 =	sld [smem:$0x3FB8];
	_ =	sdelay $0x3  }
0x34: {  	[smem:$0x3FB8] =	sst s10  }
0x35: {  	s10 =	sld [smem:$0x3FB7];
	_ =	sdelay $0x3  }
0x36: {  	p1 =	seq.s32 s10, $0x1;
	s10 =	sld [smem:$0x3FB8];
	_ =	sdelay $0x3  }
0x37: {  	[smem:$0x3FB8] =	sst s10  }
0x38: {  	s10 =	sld [smem:$0x3FB9]  }
0x39: {  	_ = 	snop;
	(pc) =	sbr.ind lr, $3  }
0x3a: {  	_ = 	snop  }
0x3b: {  	_ = 	snop  }
0x3c: {  	p2 =	seq.s32 s10, $0x1;
	s10 =	sld [smem:$0x3FB8]  }
0x3d: {  	_ =	shalt  }
0x3e: {  	_ =	shalt  }
0x3f: {  	_ =	shalt  }
0x40: {  	_ =	shalt  }
0x41: {  	_ =	shalt  }
0x42: {  	_ =	shalt  }
0x43: {  	_ =	shalt  }
0x44: {  	_ =	shalt  }
0x45: {  	_ =	shalt  }
0x46: {  	_ =	shalt  }
0x47: {  	_ =	shalt  }
0x48: {  	_ =	shalt  }
0x49: {  	_ =	shalt  }
0x4a: {  	_ =	shalt  }
0x4b: {  	_ =	shalt  }
0x4c: {  	_ =	shalt  }
0x4d: {  	_ =	shalt  }
0x4e: {  	_ =	shalt  }
0x4f: {  	_ =	shalt  }
0x50: {  	_ =	shalt  }
0x51: {  	_ =	shalt  }
0x52: {  	_ =	shalt  }
0x53: {  	_ =	shalt  }
0x54: {  	_ =	shalt  }
0x55: {  	_ =	shalt  }
0x56: {  	_ =	shalt  }
0x57: {  	_ =	shalt  }
0x58: {  	_ =	shalt  }
0x59: {  	_ =	shalt  }
0x5a: {  	_ =	shalt  }
0x5b: {  	_ =	shalt  }
0x5c: {  	_ =	shalt  }
0x5d: {  	_ =	shalt  }
0x5e: {  	_ =	shalt  }
0x5f: {  	_ =	shalt  }
0x60: {  	_ =	shalt  }
0x61: {  	_ =	shalt  }
0x62: {  	_ =	shalt  }
0x63: {  	_ =	shalt  }
0x64: {  	_ =	shalt  }
0x65: {  	_ =	shalt  }
0x66: {  	_ =	shalt  }
0x67: {  	_ =	shalt  }
0x68: {  	_ =	shalt  }
0x69: {  	_ =	shalt  }
0x6a: {  	_ =	shalt  }
0x6b: {  	_ =	shalt  }
0x6c: {  	_ =	shalt  }
0x6d: {  	_ =	shalt  }
0x6e: {  	_ =	shalt  }
0x6f: {  	_ =	shalt  }
0x70: {  	_ =	shalt  }
0x71: {  	_ =	shalt  }
0x72: {  	_ =	shalt  }
0x73: {  	_ =	shalt  }
0x74: {  	_ =	shalt  }
0x75: {  	_ =	shalt  }
0x76: {  	_ =	shalt  }
0x77: {  	_ =	shalt  }
0x78: {  	_ =	shalt  }
0x79: {  	_ =	shalt  }
0x7a: {  	_ =	shalt  }
0x7b: {  	_ =	shalt  }
0x7c: {  	_ =	shalt  }
0x7d: {  	_ =	shalt  }
0x7e: {  	_ =	shalt  }
0x7f: {  	_ =	shalt  }
0x80: {  	_ =	shalt  }
0x81: {  	_ =	shalt  }
0x82: {  	_ =	shalt  }
0x83: {  	_ =	shalt  }
0x84: {  	_ =	shalt  }
0x85: {  	_ =	shalt  }
0x86: {  	_ =	shalt  }
0x87: {  	_ =	shalt  }
.Lfunc_end0:
.L_simem_size_0:
called_computation.2_lowered:
.L_overlay_start_0:
0x88: {  	s2 =	sld [smem:$0x3FD9]  }
0x89: {  	s3 =	sld [smem:$0x3FFE];
	_ =	sdelay $0x1  }
0x8a: {  	s1 =	srdreg.scid  }
0x8b: {  	s0 =	sand.u32 $0x1, s1  }
0x8c: {  	s17 =	sshll.u32 s0, $0xA;
	s2 =	sadd.s32 s3, s2  }
0x8d: {  	s2 =	sadd.s32 s2, s17  }
0x8e: {  	[smem:$0x3FC4] =	sst s2  }
0x8f: {  	_ = 	snop  }
0x90: {  	s2 =	sld [smem:$0x3FD0];
	(tm) =	ssettm $0x1  }
0x91: {  	s18 =	sld [smem:$0x3FFB];
	_ =	sdelay $0x3  }
0x92: {  	_ =	strace s18  }
0x93: {  	s3 =	sld [smem:$0x3FFC];
	_ =	sdelay $0x3  }
0x94: {  	_ =	strace s3  }
0x95: {  	s3 =	sld [smem:$0x3FFD];
	_ =	sdelay $0x3  }
0x96: {  	_ =	strace s3  }
0x97: {  	_ =	strace $0x8FFFFFFF  }
0x98: {  	s19 =	sld [smem:$0x3FDB];
	_ =	sdelay $0x1  }
0x99: {  	s4 =	simm.s32 $_scs_section_size  }
0x9a: {  	s5 =	simm.s32 $_size__tile_overlayer_lowered;
	s6 =	simm.s32 $_tile_overlayer_lowered  }
0x9b: {  	s22 =	simm.s32 $0x1BFF;
	s21 =	sshll.u32 s6, $0x1;
	s3 =	sadd.s32 s4, s19  }
0x9c: {  	s7 =	simm.s32 $0x0;
	s20 =	sshll.u32 s5, $0x1;
	s5 =	sadd.s32 s21, s3  }
0x9d: {  	[timem:s7], [sflag:s22] =	dma.local [hbm:s5], s20  }
0x9e: {  	_ =	swait.ge [sflag:s22], s20  }
0x9f: {  	s4 =	ssub.s32 $0x0, s20;
	[sflag:s22] =	ssyncset.done $0x0  }
0xa0: {  	[sflag:s22] =	ssyncadd.s32 s4;
	_ =	sdelay $0x1  }
0xa1: {  	s23 =	simm.s32 $0x1B8B  }
0xa2: {  	_ =	swait.ge [sflag:s23], $0x1  }
0xa3: {  	[sflag:s23] =	ssyncset.done $0x0  }
0xa4: {  	s25 =	simm.s32 $0x1B8E;
	s24 =	sld [smem:$0x3FFE];
	[sflag:s23] =	ssyncadd.s32 $0xFFFFFFFF  }
0xa5: {  	s26 =	simm.s32 $execute0_lowered;
	[smem:$0x3FD2] =	sst s25  }
0xa6: {  	s5 =	sshll.u32 s26, $0x1;
	_ =	strace $0x8000004C;
	[dreg:$0x1] =	wrdreg $0xFFFFFFFF  }
0xa7: {  	s28 =	simm.s32 $_size_execute0_lowered;
	s3 =	sadd.s32 s3, s5;
	[dreg:$0x0] =	wrdreg $0x0  }
0xa8: {  	s5 =	sshll.u32 s28, $0x1;
	[dreg:$0x2] =	wrdreg s3  }
0xa9: {  	[dreg:$0x3] =	wrdreg s5  }
0xaa: {  	[dreg:$0x4] =	wrdreg $0xC0  }
0xab: {  	_ =	task [dreg:s7], $0x5FFFF  }
0xac: {  	[dreg:$0x1] =	wrdreg $0xFFFFFFFF  }
0xad: {  	[dreg:$0x0] =	wrdreg $0x60  }
0xae: {  	[dreg:$0x2] =	wrdreg s24  }
0xaf: {  	[dreg:$0x3] =	wrdreg s2  }
0xb0: {  	[dreg:$0x4] =	wrdreg $0x90000  }
0xb1: {  	[dreg:$0x5] =	wrdreg $0x9  }
0xb2: {  	_ =	task.clear_ibuf [dreg:s7], $0x6FFFF;
	_ =	strace $0x9000004C  }
0xb3: {  	s29 =	simm.s32 $0x9;
	_ =	strace $0x8000004E  }
0xb4: {  	_ =	swait.ge [sflag:s29], $0x1  }
0xb5: {  	[sflag:s29] =	ssyncadd.s32 $0xFFFFFFFF  }
0xb6: {  	_ =	strace $0x9000004E  }
0xb7: {  	_ =	sfence  }
0xb8: {  	s30 =	sld [smem:$0x0];
	_ =	sdelay $0x2  }
0xb9: {  	s31 =	sshll.u32 s1, $0xD;
	s1 =	sshrl.u32 s1, $0x2  }
0xba: {  	s3 =	sand.u32 $0x4000, s31;
	s1 =	sadd.s32 s1, s30  }
0xbb: {  	s0 =	sor.u32 s3, s0;
	s1 =	sshll.u32 s1, $0x11  }
0xbc: {  	s0 =	sor.u32 s1, s0  }
0xbd: {  	s0 =	sadd.s32 $0x8F2B, s0  }
0xbe: {  	[sflag:s0] =	ssyncadd.remote.s32 $0x1  }
0xbf: {  	_ =	sfence.sel $0xFFFF  }
0xc0: {  	[dreg:$0x0] =	wrdreg $0xFFFFFFFF;
	(pc) =	sbr.abs _section_cstart, $3  }
0xc1: {  	[dreg:$0x1] =	wrdreg $0xFFFFFFFF  }
0xc2: {  	_ =	task.clear_ibuf [dreg:s7], $0x2FFFF;
	_ =	strace $0x9FFFFFFF  }
0xc3: {  	(tm) =	ssettm $0x7FFFFFFF  }
tec
execute0_lowered:
.L_overlay_start_1:
0x0: {  	(tag) =	ssettag $0x1  }
0x1: {  	s1 =	rddreg [dreg:$0x0]  }
0x2: {  	s0 =	srdreg.scid;
	s5 =	rddreg [dreg:$0x1]  }
0x3: {  	s10 =	stileid.u32;
	s2 =	rddreg [dreg:$0x2];
	s3 =	simm.s32 $0x0  }
0x4: {  	s11 =	simm.s32 $0x80;
	s12 =	simm.s32 $0x880;
	s14 =	simm.s32 $0x100  }
0x5: {  	s15 =	simm.s32 $0x180;
	[smem:$0x7FF] =	sst s3;
	s9 =	sadd.s32 $0x1FA00, s1  }
0x6: {  	s16 =	simm.s32 $0x900;
	_ =	strace $0x8000004D;
	[dreg:$0x15] =	wrdreg s9  }
0x7: {  	s17 =	simm.s32 $0x980;
	s18 =	simm.s32 $0x200;
	[dreg:$0x6] =	wrdreg s11  }
0x8: {  	s19 =	simm.s32 $0x280;
	s20 =	simm.s32 $0xA00;
	[dreg:$0x7] =	wrdreg s12  }
0x9: {  	s21 =	simm.s32 $0xA80;
	s22 =	simm.s32 $0x300;
	[dreg:$0x8] =	wrdreg s14  }
0xa: {  	s23 =	simm.s32 $0x380;
	s28 =	simm.s32 $0x680;
	[dreg:$0x9] =	wrdreg s15  }
0xb: {  	s29 =	simm.s32 $0xE00;
	s30 =	simm.s32 $0xE80;
	[dreg:$0xa] =	wrdreg s16  }
0xc: {  	s31 =	simm.s32 $0x700;
	s6 =	smul.u32 $0x2800, s10;
	[dreg:$0xb] =	wrdreg s17  }
0xd: {  	s0 =	sand.u32 $0x1, s0;
	s8 =	smul.u32 $0x14000, s10;
	[dreg:$0xc] =	wrdreg s18  }
0xe: {  	s26 =	smul.u32 $0x50000, s10;
	s13 =	sshll.u32 s10, $0x6;
	[dreg:$0xd] =	wrdreg s19  }
0xf: {  	s10 =	simm.s32 $0x5;
	s4 =	smul.u32 $0x28000, s0;
	[dreg:$0xe] =	wrdreg s20  }
0x10: {  	s7 =	smul.u32 $0x140000, s0;
	s0 =	ssub.s32 $0x2, s0;
	[dreg:$0xf] =	wrdreg s21  }
0x11: {  	s11 =	simm.s32 $0x800;
	s12 =	simm.s32 $0x7D;
	[dreg:$0x10] =	wrdreg s22  }
0x12: {  	s14 =	simm.s32 $0x1;
	s15 =	simm.s32 $0x5000;
	[dreg:$0x11] =	wrdreg s23  }
0x13: {  	s16 =	simm.s32 $0x2;
	s17 =	simm.s32 $0x3;
	s18 =	simm.s32 $0x4  }
0x14: {  	s19 =	simm.s32 $0x480;
	s20 =	simm.s32 $0xC00;
	s21 =	simm.s32 $0xC80  }
0x15: {  	s22 =	simm.s32 $0x500;
	s23 =	simm.s32 $0x580;
	s25 =	sshrl.u32 s0, $0x1  }
0x16: {  	s9 =	sshrl.u32 s26, $0x2;
	s26 =	simm.s32 $0x400;
	s4 =	sadd.s32 s6, s4  }
0x17: {  	s7 =	sadd.s32 s8, s7;
	s0 =	ssub.s32 s0, s25;
	s25 =	simm.s32 $0xB80  }
0x18: {  	[dreg:$0x14] =	wrdreg s26;
	s26 =	simm.s32 $0x600;
	s6 =	sshrl.u32 s4, $0x3  }
0x19: {  	s4 =	sadd.s32 $0x22200, s1;
	s7 =	sshrl.u32 s7, $0x3;
	s0 =	smax.u32 s0, $0x1  }
0x1a: {  	[dreg:$0x13] =	wrdreg s25;
	s25 =	simm.s32 $0xD80;
	s24 =	sadd.s32 s6, s1  }
0x1b: {  	s1 =	sadd.s32 s7, s1;
	s5 =	sadd.s32 s6, s5;
	[dreg:$0x18] =	wrdreg s0  }
0x1c: {  	s6 =	sadd.s32 s9, s2;
	s7 =	sor.u32 $0x1C05, s13;
	[dreg:$0x5] =	wrdreg s5  }
0x1d: {  	s13 =	simm.s32 $0x1000;
	s8 =	sadd.s32 $0x15A00, s24;
	[dreg:$0x16] =	wrdreg s7  }
0x1e: {  	s0 =	simm.s32 $0xF00;
	s1 =	sadd.s32 $0x4A200, s1;
	[dreg:$0x4] =	wrdreg s8  }
0x1f: {  	s9 =	simm.s32 $0x0;
	s24 =	simm.s32 $0xB00;
	[dreg:$0x17] =	wrdreg s1  }
0x20: {  	s5 =	simm.s32 $0xF80;
	s8 =	sshrl.u32 s6, $0x3;
	[dreg:$0x12] =	wrdreg s24  }
0x21: {  	s24 =	simm.s32 $0xD00;
	s1 =	simm.s32 $0x780;
	[dreg:$0x19] =	wrdreg s8  }
.LBB2_1:
0x22: {  	[dreg:$0x1a] =	wrdreg s9  }
0x23: {  	s6 =	rddreg [dreg:$0x15]  }
0x24: {  	[spmem:s8], [sflag:s7] =	dma.local [hbm:s6], $0x2800  }
0x25: {  	_ =	swait.ge [sflag:s10], $0x2800  }
0x26: {  	[sflag:s10] =	ssyncset.done $0x0  }
0x27: {  	[sflag:s10] =	ssyncadd.s32 $0xFFFFD800  }
0x28: {  	[bflag:$0x0] =	sbarrier.arrive $0xFFFF  }
0x29: {  	s7 =	rddreg [dreg:$0x5]  }
0x2a: {  	s6 =	sadd.s32 $0x0, s7  }
0x2b: {  	[tilespmem:s3], [sflag:$0x5] =	stream.linear.gather [hbm4b:s6+s3], $0x800, $0x38;
	[tilespmem:$0x1D000] =	vst v63  }
0x2c: {  	_ =	swait.ge [sflag:s10], $0x800  }
0x2d: {  	s8 =	rddreg [dreg:$0x4];
	[sflag:s10] =	ssyncset.done $0x0  }
0x2e: {  	[sflag:s10] =	ssyncadd.s32 $0xFFFFF800;
	s6 =	sadd.s32 $0x0, s8  }
0x2f: {  	[tilespmem:s11], [sflag:$0x5] =	stream.linear.gather [hbm4b:s6+s3], $0x800, $0x38;
	[tilespmem:$0x1D000] =	vst v63  }
0x30: {  	_ =	swait.ge [sflag:s10], $0x800  }
0x31: {  	[sflag:s10] =	ssyncset.done $0x0  }
0x32: {  	[sflag:s10] =	ssyncadd.s32 $0xFFFFF800  }
0x33: {  	[tilespmem:s13], [sflag:$0x1] =	stream.indirect.gather [hbm4b:s4+s12], $0x80, s3, s12, $0xb8;
	[tilespmem:$0x1D000] =	vst v63  }
0x34: {  	_ =	swait.ge [sflag:s14], $0x3E80  }
0x35: {  	[sflag:s14] =	ssyncset.done $0x0  }
0x36: {  	s9 =	rddreg [dreg:$0x6];
	[sflag:s14] =	ssyncadd.s32 $0xFFFFC180  }
0x37: {  	[tilespmem:s15], [sflag:$0x2] =	stream.indirect.gather [hbm4b:s4+s12], $0x80, s9, s12, $0xb8;
	[tilespmem:$0x1D000] =	vst v63  }
0x38: {  	_ = 	snop  }
0x39: {  	[spmem:s2] =	stream.indirect.scatter.add.f32 [tilespmem:s13], [sflag:$0x3], $0x80, s11, s12, $0xb8;
	[tilespmem:$0x1D000] =	vst v63  }
0x3a: {  	_ =	swait.ge [sflag:s16], $0x3E80  }
0x3b: {  	[sflag:s16] =	ssyncset.done $0x0  }
0x3c: {  	s7 =	rddreg [dreg:$0x7];
	[sflag:s16] =	ssyncadd.s32 $0xFFFFC180  }
0x3d: {  	[spmem:s2] =	stream.indirect.scatter.add.f32 [tilespmem:s15], [sflag:$0x4], $0x80, s7, s12, $0xb8;
	[tilespmem:$0x1D000] =	vst v63  }
0x3e: {  	_ =	swait.ge [sflag:s17], $0x3E80  }
0x3f: {  	[sflag:s17] =	ssyncset.done $0x0  }
0x40: {  	s8 =	rddreg [dreg:$0x8];
	[sflag:s17] =	ssyncadd.s32 $0xFFFFC180  }
0x41: {  	[tilespmem:s13], [sflag:$0x1] =	stream.indirect.gather [hbm4b:s4+s12], $0x80, s8, s12, $0xb8;
	[tilespmem:$0x1D000] =	vst v63  }
0x42: {  	_ =	swait.ge [sflag:s18], $0x3E80  }
0x43: {  	[sflag:s18] =	ssyncset.done $0x0  }
0x44: {  	[sflag:s18] =	ssyncadd.s32 $0xFFFFC180  }
0x45: {  	_ =	swait.ge [sflag:s14], $0x3E80  }
0x46: {  	[sflag:s14] =	ssyncset.done $0x0  }
0x47: {  	s9 =	rddreg [dreg:$0x9];
	[sflag:s14] =	ssyncadd.s32 $0xFFFFC180  }
0x48: {  	[tilespmem:s15], [sflag:$0x2] =	stream.indirect.gather [hbm4b:s4+s12], $0x80, s9, s12, $0xb8;
	[tilespmem:$0x1D000] =	vst v63  }
0x49: {  	s7 =	rddreg [dreg:$0xa]  }
0x4a: {  	[spmem:s2] =	stream.indirect.scatter.add.f32 [tilespmem:s13], [sflag:$0x3], $0x80, s7, s12, $0xb8;
	[tilespmem:$0x1D000] =	vst v63  }
0x4b: {  	_ =	swait.ge [sflag:s16], $0x3E80  }
0x4c: {  	[sflag:s16] =	ssyncset.done $0x0  }
0x4d: {  	s9 =	rddreg [dreg:$0xb];
	[sflag:s16] =	ssyncadd.s32 $0xFFFFC180  }
0x4e: {  	[spmem:s2] =	stream.indirect.scatter.add.f32 [tilespmem:s15], [sflag:$0x4], $0x80, s9, s12, $0xb8;
	[tilespmem:$0x1D000] =	vst v63  }
0x4f: {  	_ =	swait.ge [sflag:s17], $0x3E80  }
0x50: {  	[sflag:s17] =	ssyncset.done $0x0  }
0x51: {  	s7 =	rddreg [dreg:$0xc];
	[sflag:s17] =	ssyncadd.s32 $0xFFFFC180  }
0x52: {  	[tilespmem:s13], [sflag:$0x1] =	stream.indirect.gather [hbm4b:s4+s12], $0x80, s7, s12, $0xb8;
	[tilespmem:$0x1D000] =	vst v63  }
0x53: {  	_ =	swait.ge [sflag:s18], $0x3E80  }
0x54: {  	[sflag:s18] =	ssyncset.done $0x0  }
0x55: {  	[sflag:s18] =	ssyncadd.s32 $0xFFFFC180  }
0x56: {  	_ =	swait.ge [sflag:s14], $0x3E80  }
0x57: {  	[sflag:s14] =	ssyncset.done $0x0  }
0x58: {  	s8 =	rddreg [dreg:$0xd];
	[sflag:s14] =	ssyncadd.s32 $0xFFFFC180  }
0x59: {  	[tilespmem:s15], [sflag:$0x2] =	stream.indirect.gather [hbm4b:s4+s12], $0x80, s8, s12, $0xb8;
	[tilespmem:$0x1D000] =	vst v63  }
0x5a: {  	s9 =	rddreg [dreg:$0xe]  }
0x5b: {  	[spmem:s2] =	stream.indirect.scatter.add.f32 [tilespmem:s13], [sflag:$0x3], $0x80, s9, s12, $0xb8;
	[tilespmem:$0x1D000] =	vst v63  }
0x5c: {  	_ =	swait.ge [sflag:s16], $0x3E80  }
0x5d: {  	[sflag:s16] =	ssyncset.done $0x0  }
0x5e: {  	s7 =	rddreg [dreg:$0xf];
	[sflag:s16] =	ssyncadd.s32 $0xFFFFC180  }
0x5f: {  	[spmem:s2] =	stream.indirect.scatter.add.f32 [tilespmem:s15], [sflag:$0x4], $0x80, s7, s12, $0xb8;
	[tilespmem:$0x1D000] =	vst v63  }
0x60: {  	_ =	swait.ge [sflag:s17], $0x3E80  }
0x61: {  	[sflag:s17] =	ssyncset.done $0x0  }
0x62: {  	s8 =	rddreg [dreg:$0x10];
	[sflag:s17] =	ssyncadd.s32 $0xFFFFC180  }
0x63: {  	[tilespmem:s13], [sflag:$0x1] =	stream.indirect.gather [hbm4b:s4+s12], $0x80, s8, s12, $0xb8;
	[tilespmem:$0x1D000] =	vst v63  }
0x64: {  	_ =	swait.ge [sflag:s18], $0x3E80  }
0x65: {  	[sflag:s18] =	ssyncset.done $0x0  }
0x66: {  	[sflag:s18] =	ssyncadd.s32 $0xFFFFC180  }
0x67: {  	_ =	swait.ge [sflag:s14], $0x3E80  }
0x68: {  	[sflag:s14] =	ssyncset.done $0x0  }
0x69: {  	s9 =	rddreg [dreg:$0x11];
	[sflag:s14] =	ssyncadd.s32 $0xFFFFC180  }
0x6a: {  	[tilespmem:s15], [sflag:$0x2] =	stream.indirect.gather [hbm4b:s4+s12], $0x80, s9, s12, $0xb8;
	[tilespmem:$0x1D000] =	vst v63  }
0x6b: {  	s7 =	rddreg [dreg:$0x12]  }
0x6c: {  	[spmem:s2] =	stream.indirect.scatter.add.f32 [tilespmem:s13], [sflag:$0x3], $0x80, s7, s12, $0xb8;
	[tilespmem:$0x1D000] =	vst v63  }
0x6d: {  	_ =	swait.ge [sflag:s16], $0x3E80  }
0x6e: {  	[sflag:s16] =	ssyncset.done $0x0  }
0x6f: {  	s8 =	rddreg [dreg:$0x13];
	[sflag:s16] =	ssyncadd.s32 $0xFFFFC180  }
0x70: {  	[spmem:s2] =	stream.indirect.scatter.add.f32 [tilespmem:s15], [sflag:$0x4], $0x80, s8, s12, $0xb8;
	[tilespmem:$0x1D000] =	vst v63  }
0x71: {  	_ =	swait.ge [sflag:s17], $0x3E80  }
0x72: {  	[sflag:s17] =	ssyncset.done $0x0  }
0x73: {  	s9 =	rddreg [dreg:$0x14];
	[sflag:s17] =	ssyncadd.s32 $0xFFFFC180  }
0x74: {  	[tilespmem:s13], [sflag:$0x1] =	stream.indirect.gather [hbm4b:s4+s12], $0x80, s9, s12, $0xb8;
	[tilespmem:$0x1D000] =	vst v63  }
0x75: {  	_ =	swait.ge [sflag:s18], $0x3E80  }
0x76: {  	[sflag:s18] =	ssyncset.done $0x0  }
0x77: {  	[sflag:s18] =	ssyncadd.s32 $0xFFFFC180  }
0x78: {  	_ =	swait.ge [sflag:s14], $0x3E80  }
0x79: {  	[sflag:s14] =	ssyncset.done $0x0  }
0x7a: {  	[sflag:s14] =	ssyncadd.s32 $0xFFFFC180  }
0x7b: {  	[tilespmem:s15], [sflag:$0x2] =	stream.indirect.gather [hbm4b:s4+s12], $0x80, s19, s12, $0xb8;
	[tilespmem:$0x1D000] =	vst v63  }
0x7c: {  	_ = 	snop  }
0x7d: {  	[spmem:s2] =	stream.indirect.scatter.add.f32 [tilespmem:s13], [sflag:$0x3], $0x80, s20, s12, $0xb8;
	[tilespmem:$0x1D000] =	vst v63  }
0x7e: {  	_ =	swait.ge [sflag:s16], $0x3E80  }
0x7f: {  	[sflag:s16] =	ssyncset.done $0x0  }
0x80: {  	[sflag:s16] =	ssyncadd.s32 $0xFFFFC180  }
0x81: {  	[spmem:s2] =	stream.indirect.scatter.add.f32 [tilespmem:s15], [sflag:$0x4], $0x80, s21, s12, $0xb8;
	[tilespmem:$0x1D000] =	vst v63  }
0x82: {  	_ =	swait.ge [sflag:s17], $0x3E80  }
0x83: {  	[sflag:s17] =	ssyncset.done $0x0  }
0x84: {  	[sflag:s17] =	ssyncadd.s32 $0xFFFFC180  }
0x85: {  	[tilespmem:s13], [sflag:$0x1] =	stream.indirect.gather [hbm4b:s4+s12], $0x80, s22, s12, $0xb8;
	[tilespmem:$0x1D000] =	vst v63  }
0x86: {  	_ =	swait.ge [sflag:s18], $0x3E80  }
0x87: {  	[sflag:s18] =	ssyncset.done $0x0  }
0x88: {  	[sflag:s18] =	ssyncadd.s32 $0xFFFFC180  }
0x89: {  	_ =	swait.ge [sflag:s14], $0x3E80  }
0x8a: {  	[sflag:s14] =	ssyncset.done $0x0  }
0x8b: {  	[sflag:s14] =	ssyncadd.s32 $0xFFFFC180  }
0x8c: {  	[tilespmem:s15], [sflag:$0x2] =	stream.indirect.gather [hbm4b:s4+s12], $0x80, s23, s12, $0xb8;
	[tilespmem:$0x1D000] =	vst v63  }
0x8d: {  	_ = 	snop  }
0x8e: {  	[spmem:s2] =	stream.indirect.scatter.add.f32 [tilespmem:s13], [sflag:$0x3], $0x80, s24, s12, $0xb8;
	[tilespmem:$0x1D000] =	vst v63  }
0x8f: {  	_ =	swait.ge [sflag:s16], $0x3E80  }
0x90: {  	[sflag:s16] =	ssyncset.done $0x0  }
0x91: {  	[sflag:s16] =	ssyncadd.s32 $0xFFFFC180  }
0x92: {  	[spmem:s2] =	stream.indirect.scatter.add.f32 [tilespmem:s15], [sflag:$0x4], $0x80, s25, s12, $0xb8;
	[tilespmem:$0x1D000] =	vst v63  }
0x93: {  	_ =	swait.ge [sflag:s17], $0x3E80  }
0x94: {  	[sflag:s17] =	ssyncset.done $0x0  }
0x95: {  	[sflag:s17] =	ssyncadd.s32 $0xFFFFC180  }
0x96: {  	[tilespmem:s13], [sflag:$0x1] =	stream.indirect.gather [hbm4b:s4+s12], $0x80, s26, s12, $0xb8;
	[tilespmem:$0x1D000] =	vst v63  }
0x97: {  	_ =	swait.ge [sflag:s18], $0x3E80  }
0x98: {  	[sflag:s18] =	ssyncset.done $0x0  }
0x99: {  	[sflag:s18] =	ssyncadd.s32 $0xFFFFC180  }
0x9a: {  	_ =	swait.ge [sflag:s14], $0x3E80  }
0x9b: {  	[sflag:s14] =	ssyncset.done $0x0  }
0x9c: {  	[sflag:s14] =	ssyncadd.s32 $0xFFFFC180  }
0x9d: {  	[tilespmem:s15], [sflag:$0x2] =	stream.indirect.gather [hbm4b:s4+s12], $0x80, s28, s12, $0xb8;
	[tilespmem:$0x1D000] =	vst v63  }
0x9e: {  	_ = 	snop  }
0x9f: {  	[spmem:s2] =	stream.indirect.scatter.add.f32 [tilespmem:s13], [sflag:$0x3], $0x80, s29, s12, $0xb8;
	[tilespmem:$0x1D000] =	vst v63  }
0xa0: {  	_ =	swait.ge [sflag:s16], $0x3E80  }
0xa1: {  	[sflag:s16] =	ssyncset.done $0x0  }
0xa2: {  	[sflag:s16] =	ssyncadd.s32 $0xFFFFC180  }
0xa3: {  	[spmem:s2] =	stream.indirect.scatter.add.f32 [tilespmem:s15], [sflag:$0x4], $0x80, s30, s12, $0xb8;
	[tilespmem:$0x1D000] =	vst v63  }
0xa4: {  	_ =	swait.ge [sflag:s17], $0x3E80  }
0xa5: {  	[sflag:s17] =	ssyncset.done $0x0  }
0xa6: {  	[sflag:s17] =	ssyncadd.s32 $0xFFFFC180  }
0xa7: {  	[tilespmem:s13], [sflag:$0x1] =	stream.indirect.gather [hbm4b:s4+s12], $0x80, s31, s12, $0xb8;
	[tilespmem:$0x1D000] =	vst v63  }
0xa8: {  	_ =	swait.ge [sflag:s18], $0x3E80  }
0xa9: {  	[sflag:s18] =	ssyncset.done $0x0  }
0xaa: {  	[sflag:s18] =	ssyncadd.s32 $0xFFFFC180  }
0xab: {  	_ =	swait.ge [sflag:s14], $0x3E80  }
0xac: {  	[sflag:s14] =	ssyncset.done $0x0  }
0xad: {  	[sflag:s14] =	ssyncadd.s32 $0xFFFFC180  }
0xae: {  	[tilespmem:s15], [sflag:$0x2] =	stream.indirect.gather [hbm4b:s4+s12], $0x80, s1, s12, $0xb8;
	[tilespmem:$0x1D000] =	vst v63  }
0xaf: {  	_ = 	snop  }
0xb0: {  	[spmem:s2] =	stream.indirect.scatter.add.f32 [tilespmem:s13], [sflag:$0x3], $0x80, s0, s12, $0xb8;
	[tilespmem:$0x1D000] =	vst v63  }
0xb1: {  	_ =	swait.ge [sflag:s16], $0x3E80  }
0xb2: {  	[sflag:s16] =	ssyncset.done $0x0  }
0xb3: {  	[sflag:s16] =	ssyncadd.s32 $0xFFFFC180  }
0xb4: {  	[spmem:s2] =	stream.indirect.scatter.add.f32 [tilespmem:s15], [sflag:$0x4], $0x80, s5, s12, $0xb8;
	[tilespmem:$0x1D000] =	vst v63  }
0xb5: {  	_ =	swait.ge [sflag:s17], $0x3E80  }
0xb6: {  	[sflag:s17] =	ssyncset.done $0x0  }
0xb7: {  	[sflag:s17] =	ssyncadd.s32 $0xFFFFC180  }
0xb8: {  	s6 =	simm.s32 $0x200;
	_ =	swait.ge [sflag:s18], $0x3E80  }
0xb9: {  	s8 =	simm.s32 $0x100;
	s9 =	rddreg [dreg:$0x5];
	[sflag:s18] =	ssyncset.done $0x0  }
.LBB2_2:
0xba: {  	[sflag:s18] =	ssyncadd.s32 $0xFFFFC180;
	s9 =	sadd.s32 s8, s9  }
0xbb: {  	[tilespmem:s3], [sflag:$0x5] =	stream.linear.gather [hbm4b:s9+s3], $0x800, $0x38;
	[tilespmem:$0x1D000] =	vst v63  }
0xbc: {  	_ =	swait.ge [sflag:s10], $0x800  }
0xbd: {  	s9 =	rddreg [dreg:$0x4];
	[sflag:s10] =	ssyncset.done $0x0  }
0xbe: {  	[sflag:s10] =	ssyncadd.s32 $0xFFFFF800;
	s9 =	sadd.s32 s8, s9  }
0xbf: {  	[tilespmem:s11], [sflag:$0x5] =	stream.linear.gather [hbm4b:s9+s3], $0x800, $0x38;
	[tilespmem:$0x1D000] =	vst v63  }
0xc0: {  	_ =	swait.ge [sflag:s10], $0x800  }
0xc1: {  	[sflag:s10] =	ssyncset.done $0x0  }
0xc2: {  	[sflag:s10] =	ssyncadd.s32 $0xFFFFF800  }
0xc3: {  	[tilespmem:s13], [sflag:$0x1] =	stream.indirect.gather [hbm4b:s4+s12], $0x80, s3, s12, $0xb8;
	[tilespmem:$0x1D000] =	vst v63  }
0xc4: {  	_ =	swait.ge [sflag:s14], $0x3E80  }
0xc5: {  	[sflag:s14] =	ssyncset.done $0x0  }
0xc6: {  	s9 =	rddreg [dreg:$0x6];
	[sflag:s14] =	ssyncadd.s32 $0xFFFFC180  }
0xc7: {  	[tilespmem:s15], [sflag:$0x2] =	stream.indirect.gather [hbm4b:s4+s12], $0x80, s9, s12, $0xb8;
	[tilespmem:$0x1D000] =	vst v63  }
0xc8: {  	_ = 	snop  }
0xc9: {  	[spmem:s2] =	stream.indirect.scatter.add.f32 [tilespmem:s13], [sflag:$0x3], $0x80, s11, s12, $0xb8;
	[tilespmem:$0x1D000] =	vst v63  }
0xca: {  	_ =	swait.ge [sflag:s16], $0x3E80  }
0xcb: {  	[sflag:s16] =	ssyncset.done $0x0  }
0xcc: {  	s9 =	rddreg [dreg:$0x7];
	[sflag:s16] =	ssyncadd.s32 $0xFFFFC180  }
0xcd: {  	[spmem:s2] =	stream.indirect.scatter.add.f32 [tilespmem:s15], [sflag:$0x4], $0x80, s9, s12, $0xb8;
	[tilespmem:$0x1D000] =	vst v63  }
0xce: {  	_ =	swait.ge [sflag:s17], $0x3E80  }
0xcf: {  	[sflag:s17] =	ssyncset.done $0x0  }
0xd0: {  	s9 =	rddreg [dreg:$0x8];
	[sflag:s17] =	ssyncadd.s32 $0xFFFFC180  }
0xd1: {  	[tilespmem:s13], [sflag:$0x1] =	stream.indirect.gather [hbm4b:s4+s12], $0x80, s9, s12, $0xb8;
	[tilespmem:$0x1D000] =	vst v63  }
0xd2: {  	_ =	swait.ge [sflag:s18], $0x3E80  }
0xd3: {  	[sflag:s18] =	ssyncset.done $0x0  }
0xd4: {  	[sflag:s18] =	ssyncadd.s32 $0xFFFFC180  }
0xd5: {  	_ =	swait.ge [sflag:s14], $0x3E80  }
0xd6: {  	s7 =	smov.u32 s6;
	[sflag:s14] =	ssyncset.done $0x0  }
0xd7: {  	s8 =	smov.u32 s7;
	s7 =	rddreg [dreg:$0x9];
	[sflag:s14] =	ssyncadd.s32 $0xFFFFC180  }
0xd8: {  	[tilespmem:s15], [sflag:$0x2] =	stream.indirect.gather [hbm4b:s4+s12], $0x80, s7, s12, $0xb8;
	[tilespmem:$0x1D000] =	vst v63  }
0xd9: {  	s9 =	rddreg [dreg:$0xa]  }
0xda: {  	[spmem:s2] =	stream.indirect.scatter.add.f32 [tilespmem:s13], [sflag:$0x3], $0x80, s9, s12, $0xb8;
	[tilespmem:$0x1D000] =	vst v63  }
0xdb: {  	_ =	swait.ge [sflag:s16], $0x3E80  }
0xdc: {  	[sflag:s16] =	ssyncset.done $0x0  }
0xdd: {  	s9 =	rddreg [dreg:$0xb];
	[sflag:s16] =	ssyncadd.s32 $0xFFFFC180  }
0xde: {  	[spmem:s2] =	stream.indirect.scatter.add.f32 [tilespmem:s15], [sflag:$0x4], $0x80, s9, s12, $0xb8;
	[tilespmem:$0x1D000] =	vst v63  }
0xdf: {  	_ =	swait.ge [sflag:s17], $0x3E80  }
0xe0: {  	[sflag:s17] =	ssyncset.done $0x0  }
0xe1: {  	s9 =	rddreg [dreg:$0xc];
	[sflag:s17] =	ssyncadd.s32 $0xFFFFC180  }
0xe2: {  	[tilespmem:s13], [sflag:$0x1] =	stream.indirect.gather [hbm4b:s4+s12], $0x80, s9, s12, $0xb8;
	[tilespmem:$0x1D000] =	vst v63  }
0xe3: {  	_ =	swait.ge [sflag:s18], $0x3E80  }
0xe4: {  	[sflag:s18] =	ssyncset.done $0x0  }
0xe5: {  	[sflag:s18] =	ssyncadd.s32 $0xFFFFC180  }
0xe6: {  	_ =	swait.ge [sflag:s14], $0x3E80  }
0xe7: {  	[sflag:s14] =	ssyncset.done $0x0  }
0xe8: {  	s7 =	rddreg [dreg:$0xd];
	[sflag:s14] =	ssyncadd.s32 $0xFFFFC180  }
0xe9: {  	[tilespmem:s15], [sflag:$0x2] =	stream.indirect.gather [hbm4b:s4+s12], $0x80, s7, s12, $0xb8;
	[tilespmem:$0x1D000] =	vst v63  }
0xea: {  	s9 =	rddreg [dreg:$0xe]  }
0xeb: {  	[spmem:s2] =	stream.indirect.scatter.add.f32 [tilespmem:s13], [sflag:$0x3], $0x80, s9, s12, $0xb8;
	[tilespmem:$0x1D000] =	vst v63  }
0xec: {  	_ =	swait.ge [sflag:s16], $0x3E80  }
0xed: {  	[sflag:s16] =	ssyncset.done $0x0  }
0xee: {  	s9 =	rddreg [dreg:$0xf];
	[sflag:s16] =	ssyncadd.s32 $0xFFFFC180  }
0xef: {  	[spmem:s2] =	stream.indirect.scatter.add.f32 [tilespmem:s15], [sflag:$0x4], $0x80, s9, s12, $0xb8;
	[tilespmem:$0x1D000] =	vst v63  }
0xf0: {  	_ =	swait.ge [sflag:s17], $0x3E80  }
0xf1: {  	[sflag:s17] =	ssyncset.done $0x0  }
0xf2: {  	s9 =	rddreg [dreg:$0x10];
	[sflag:s17] =	ssyncadd.s32 $0xFFFFC180  }
0xf3: {  	[tilespmem:s13], [sflag:$0x1] =	stream.indirect.gather [hbm4b:s4+s12], $0x80, s9, s12, $0xb8;
	[tilespmem:$0x1D000] =	vst v63  }
0xf4: {  	_ =	swait.ge [sflag:s18], $0x3E80  }
0xf5: {  	[sflag:s18] =	ssyncset.done $0x0  }
0xf6: {  	[sflag:s18] =	ssyncadd.s32 $0xFFFFC180  }
0xf7: {  	_ =	swait.ge [sflag:s14], $0x3E80  }
0xf8: {  	[sflag:s14] =	ssyncset.done $0x0  }
0xf9: {  	s7 =	rddreg [dreg:$0x11];
	[sflag:s14] =	ssyncadd.s32 $0xFFFFC180  }
0xfa: {  	[tilespmem:s15], [sflag:$0x2] =	stream.indirect.gather [hbm4b:s4+s12], $0x80, s7, s12, $0xb8;
	[tilespmem:$0x1D000] =	vst v63  }
0xfb: {  	s9 =	rddreg [dreg:$0x12]  }
0xfc: {  	[spmem:s2] =	stream.indirect.scatter.add.f32 [tilespmem:s13], [sflag:$0x3], $0x80, s9, s12, $0xb8;
	[tilespmem:$0x1D000] =	vst v63  }
0xfd: {  	_ =	swait.ge [sflag:s16], $0x3E80  }
0xfe: {  	[sflag:s16] =	ssyncset.done $0x0  }
0xff: {  	s9 =	rddreg [dreg:$0x13];
	[sflag:s16] =	ssyncadd.s32 $0xFFFFC180  }
0x100: {  	[spmem:s2] =	stream.indirect.scatter.add.f32 [tilespmem:s15], [sflag:$0x4], $0x80, s9, s12, $0xb8;
	[tilespmem:$0x1D000] =	vst v63  }
0x101: {  	_ =	swait.ge [sflag:s17], $0x3E80  }
0x102: {  	[sflag:s17] =	ssyncset.done $0x0  }
0x103: {  	s9 =	rddreg [dreg:$0x14];
	[sflag:s17] =	ssyncadd.s32 $0xFFFFC180  }
0x104: {  	[tilespmem:s13], [sflag:$0x1] =	stream.indirect.gather [hbm4b:s4+s12], $0x80, s9, s12, $0xb8;
	[tilespmem:$0x1D000] =	vst v63  }
0x105: {  	_ =	swait.ge [sflag:s18], $0x3E80  }
0x106: {  	[sflag:s18] =	ssyncset.done $0x0  }
0x107: {  	[sflag:s18] =	ssyncadd.s32 $0xFFFFC180  }
0x108: {  	_ =	swait.ge [sflag:s14], $0x3E80  }
0x109: {  	[sflag:s14] =	ssyncset.done $0x0  }
0x10a: {  	[sflag:s14] =	ssyncadd.s32 $0xFFFFC180  }
0x10b: {  	[tilespmem:s15], [sflag:$0x2] =	stream.indirect.gather [hbm4b:s4+s12], $0x80, s19, s12, $0xb8;
	[tilespmem:$0x1D000] =	vst v63  }
0x10c: {  	_ = 	snop  }
0x10d: {  	[spmem:s2] =	stream.indirect.scatter.add.f32 [tilespmem:s13], [sflag:$0x3], $0x80, s20, s12, $0xb8;
	[tilespmem:$0x1D000] =	vst v63  }
0x10e: {  	_ =	swait.ge [sflag:s16], $0x3E80  }
0x10f: {  	[sflag:s16] =	ssyncset.done $0x0  }
0x110: {  	[sflag:s16] =	ssyncadd.s32 $0xFFFFC180  }
0x111: {  	[spmem:s2] =	stream.indirect.scatter.add.f32 [tilespmem:s15], [sflag:$0x4], $0x80, s21, s12, $0xb8;
	[tilespmem:$0x1D000] =	vst v63  }
0x112: {  	_ =	swait.ge [sflag:s17], $0x3E80  }
0x113: {  	[sflag:s17] =	ssyncset.done $0x0  }
0x114: {  	[sflag:s17] =	ssyncadd.s32 $0xFFFFC180  }
0x115: {  	[tilespmem:s13], [sflag:$0x1] =	stream.indirect.gather [hbm4b:s4+s12], $0x80, s22, s12, $0xb8;
	[tilespmem:$0x1D000] =	vst v63  }
0x116: {  	_ =	swait.ge [sflag:s18], $0x3E80  }
0x117: {  	[sflag:s18] =	ssyncset.done $0x0  }
0x118: {  	[sflag:s18] =	ssyncadd.s32 $0xFFFFC180  }
0x119: {  	_ =	swait.ge [sflag:s14], $0x3E80  }
0x11a: {  	[sflag:s14] =	ssyncset.done $0x0  }
0x11b: {  	[sflag:s14] =	ssyncadd.s32 $0xFFFFC180  }
0x11c: {  	[tilespmem:s15], [sflag:$0x2] =	stream.indirect.gather [hbm4b:s4+s12], $0x80, s23, s12, $0xb8;
	[tilespmem:$0x1D000] =	vst v63  }
0x11d: {  	_ = 	snop  }
0x11e: {  	[spmem:s2] =	stream.indirect.scatter.add.f32 [tilespmem:s13], [sflag:$0x3], $0x80, s24, s12, $0xb8;
	[tilespmem:$0x1D000] =	vst v63  }
0x11f: {  	_ =	swait.ge [sflag:s16], $0x3E80  }
0x120: {  	[sflag:s16] =	ssyncset.done $0x0  }
0x121: {  	[sflag:s16] =	ssyncadd.s32 $0xFFFFC180  }
0x122: {  	[spmem:s2] =	stream.indirect.scatter.add.f32 [tilespmem:s15], [sflag:$0x4], $0x80, s25, s12, $0xb8;
	[tilespmem:$0x1D000] =	vst v63  }
0x123: {  	_ =	swait.ge [sflag:s17], $0x3E80  }
0x124: {  	[sflag:s17] =	ssyncset.done $0x0  }
0x125: {  	[sflag:s17] =	ssyncadd.s32 $0xFFFFC180  }
0x126: {  	[tilespmem:s13], [sflag:$0x1] =	stream.indirect.gather [hbm4b:s4+s12], $0x80, s26, s12, $0xb8;
	[tilespmem:$0x1D000] =	vst v63  }
0x127: {  	_ =	swait.ge [sflag:s18], $0x3E80  }
0x128: {  	[sflag:s18] =	ssyncset.done $0x0  }
0x129: {  	[sflag:s18] =	ssyncadd.s32 $0xFFFFC180  }
0x12a: {  	_ =	swait.ge [sflag:s14], $0x3E80  }
0x12b: {  	[sflag:s14] =	ssyncset.done $0x0  }
0x12c: {  	[sflag:s14] =	ssyncadd.s32 $0xFFFFC180  }
0x12d: {  	[tilespmem:s15], [sflag:$0x2] =	stream.indirect.gather [hbm4b:s4+s12], $0x80, s28, s12, $0xb8;
	[tilespmem:$0x1D000] =	vst v63  }
0x12e: {  	_ = 	snop  }
0x12f: {  	[spmem:s2] =	stream.indirect.scatter.add.f32 [tilespmem:s13], [sflag:$0x3], $0x80, s29, s12, $0xb8;
	[tilespmem:$0x1D000] =	vst v63  }
0x130: {  	_ =	swait.ge [sflag:s16], $0x3E80  }
0x131: {  	[sflag:s16] =	ssyncset.done $0x0  }
0x132: {  	[sflag:s16] =	ssyncadd.s32 $0xFFFFC180  }
0x133: {  	[spmem:s2] =	stream.indirect.scatter.add.f32 [tilespmem:s15], [sflag:$0x4], $0x80, s30, s12, $0xb8;
	[tilespmem:$0x1D000] =	vst v63  }
0x134: {  	_ =	swait.ge [sflag:s17], $0x3E80  }
0x135: {  	[sflag:s17] =	ssyncset.done $0x0  }
0x136: {  	[sflag:s17] =	ssyncadd.s32 $0xFFFFC180  }
0x137: {  	[tilespmem:s13], [sflag:$0x1] =	stream.indirect.gather [hbm4b:s4+s12], $0x80, s31, s12, $0xb8;
	[tilespmem:$0x1D000] =	vst v63  }
0x138: {  	_ =	swait.ge [sflag:s18], $0x3E80  }
0x139: {  	[sflag:s18] =	ssyncset.done $0x0  }
0x13a: {  	[sflag:s18] =	ssyncadd.s32 $0xFFFFC180  }
0x13b: {  	_ =	swait.ge [sflag:s14], $0x3E80  }
0x13c: {  	[sflag:s14] =	ssyncset.done $0x0  }
0x13d: {  	[sflag:s14] =	ssyncadd.s32 $0xFFFFC180  }
0x13e: {  	[tilespmem:s15], [sflag:$0x2] =	stream.indirect.gather [hbm4b:s4+s12], $0x80, s1, s12, $0xb8;
	[tilespmem:$0x1D000] =	vst v63  }
0x13f: {  	_ = 	snop  }
0x140: {  	[spmem:s2] =	stream.indirect.scatter.add.f32 [tilespmem:s13], [sflag:$0x3], $0x80, s0, s12, $0xb8;
	[tilespmem:$0x1D000] =	vst v63  }
0x141: {  	_ =	swait.ge [sflag:s16], $0x3E80  }
0x142: {  	[sflag:s16] =	ssyncset.done $0x0  }
0x143: {  	p0 =	sne.s32 s6, $0x400;
	[sflag:s16] =	ssyncadd.s32 $0xFFFFC180  }
0x144: {  	[spmem:s2] =	stream.indirect.scatter.add.f32 [tilespmem:s15], [sflag:$0x4], $0x80, s5, s12, $0xb8;
	[tilespmem:$0x1D000] =	vst v63  }
.Ltmp0:
0x145: {  	_ =	swait.ge [sflag:s17], $0x3E80;
	(pc) =	sbr.rel @p0 .LBB2_2-.Ltmp0, $4  }
0x146: {  	[sflag:s17] =	ssyncset.done $0x0  }
0x147: {  	[sflag:s17] =	ssyncadd.s32 $0xFFFFC180  }
0x148: {  	_ =	swait.ge [sflag:s18], $0x3E80  }
0x149: {  	s6 =	sadd.s32 $0x100, s6;
	s9 =	rddreg [dreg:$0x5];
	[sflag:s18] =	ssyncset.done $0x0  }
0x14a: {  	[sflag:s18] =	ssyncadd.s32 $0xFFFFC180;
	s6 =	sadd.s32 s8, s9  }
0x14b: {  	[tilespmem:s3], [sflag:$0x5] =	stream.linear.gather [hbm4b:s6+s3], $0x800, $0x38;
	[tilespmem:$0x1D000] =	vst v63  }
0x14c: {  	_ =	swait.ge [sflag:s10], $0x800  }
0x14d: {  	s7 =	rddreg [dreg:$0x4];
	[sflag:s10] =	ssyncset.done $0x0  }
0x14e: {  	[sflag:s10] =	ssyncadd.s32 $0xFFFFF800;
	s6 =	sadd.s32 s8, s7  }
0x14f: {  	[tilespmem:s11], [sflag:$0x5] =	stream.linear.gather [hbm4b:s6+s3], $0x800, $0x38;
	[tilespmem:$0x1D000] =	vst v63  }
0x150: {  	_ =	swait.ge [sflag:s10], $0x800  }
0x151: {  	[sflag:s10] =	ssyncset.done $0x0  }
0x152: {  	[sflag:s10] =	ssyncadd.s32 $0xFFFFF800  }
0x153: {  	[tilespmem:s13], [sflag:$0x1] =	stream.indirect.gather [hbm4b:s4+s12], $0x80, s3, s12, $0xb8;
	[tilespmem:$0x1D000] =	vst v63  }
0x154: {  	_ =	swait.ge [sflag:s14], $0x3E80  }
0x155: {  	[sflag:s14] =	ssyncset.done $0x0  }
0x156: {  	s9 =	rddreg [dreg:$0x6];
	[sflag:s14] =	ssyncadd.s32 $0xFFFFC180  }
0x157: {  	[tilespmem:s15], [sflag:$0x2] =	stream.indirect.gather [hbm4b:s4+s12], $0x80, s9, s12, $0xb8;
	[tilespmem:$0x1D000] =	vst v63  }
0x158: {  	_ = 	snop  }
0x159: {  	[spmem:s2] =	stream.indirect.scatter.add.f32 [tilespmem:s13], [sflag:$0x3], $0x80, s11, s12, $0xb8;
	[tilespmem:$0x1D000] =	vst v63  }
0x15a: {  	_ =	swait.ge [sflag:s16], $0x3E80  }
0x15b: {  	[sflag:s16] =	ssyncset.done $0x0  }
0x15c: {  	s7 =	rddreg [dreg:$0x7];
	[sflag:s16] =	ssyncadd.s32 $0xFFFFC180  }
0x15d: {  	[spmem:s2] =	stream.indirect.scatter.add.f32 [tilespmem:s15], [sflag:$0x4], $0x80, s7, s12, $0xb8;
	[tilespmem:$0x1D000] =	vst v63  }
0x15e: {  	_ =	swait.ge [sflag:s17], $0x3E80  }
0x15f: {  	[sflag:s17] =	ssyncset.done $0x0  }
0x160: {  	s8 =	rddreg [dreg:$0x8];
	[sflag:s17] =	ssyncadd.s32 $0xFFFFC180  }
0x161: {  	[tilespmem:s13], [sflag:$0x1] =	stream.indirect.gather [hbm4b:s4+s12], $0x80, s8, s12, $0xb8;
	[tilespmem:$0x1D000] =	vst v63  }
0x162: {  	_ =	swait.ge [sflag:s18], $0x3E80  }
0x163: {  	[sflag:s18] =	ssyncset.done $0x0  }
0x164: {  	[sflag:s18] =	ssyncadd.s32 $0xFFFFC180  }
0x165: {  	_ =	swait.ge [sflag:s14], $0x3E80  }
0x166: {  	[sflag:s14] =	ssyncset.done $0x0  }
0x167: {  	s9 =	rddreg [dreg:$0x9];
	[sflag:s14] =	ssyncadd.s32 $0xFFFFC180  }
0x168: {  	[tilespmem:s15], [sflag:$0x2] =	stream.indirect.gather [hbm4b:s4+s12], $0x80, s9, s12, $0xb8;
	[tilespmem:$0x1D000] =	vst v63  }
0x169: {  	s7 =	rddreg [dreg:$0xa]  }
0x16a: {  	[spmem:s2] =	stream.indirect.scatter.add.f32 [tilespmem:s13], [sflag:$0x3], $0x80, s7, s12, $0xb8;
	[tilespmem:$0x1D000] =	vst v63  }
0x16b: {  	_ =	swait.ge [sflag:s16], $0x3E80  }
0x16c: {  	[sflag:s16] =	ssyncset.done $0x0  }
0x16d: {  	s8 =	rddreg [dreg:$0xb];
	[sflag:s16] =	ssyncadd.s32 $0xFFFFC180  }
0x16e: {  	[spmem:s2] =	stream.indirect.scatter.add.f32 [tilespmem:s15], [sflag:$0x4], $0x80, s8, s12, $0xb8;
	[tilespmem:$0x1D000] =	vst v63  }
0x16f: {  	_ =	swait.ge [sflag:s17], $0x3E80  }
0x170: {  	[sflag:s17] =	ssyncset.done $0x0  }
0x171: {  	s9 =	rddreg [dreg:$0xc];
	[sflag:s17] =	ssyncadd.s32 $0xFFFFC180  }
0x172: {  	[tilespmem:s13], [sflag:$0x1] =	stream.indirect.gather [hbm4b:s4+s12], $0x80, s9, s12, $0xb8;
	[tilespmem:$0x1D000] =	vst v63  }
0x173: {  	_ =	swait.ge [sflag:s18], $0x3E80  }
0x174: {  	[sflag:s18] =	ssyncset.done $0x0  }
0x175: {  	[sflag:s18] =	ssyncadd.s32 $0xFFFFC180  }
0x176: {  	_ =	swait.ge [sflag:s14], $0x3E80  }
0x177: {  	[sflag:s14] =	ssyncset.done $0x0  }
0x178: {  	s7 =	rddreg [dreg:$0xd];
	[sflag:s14] =	ssyncadd.s32 $0xFFFFC180  }
0x179: {  	[tilespmem:s15], [sflag:$0x2] =	stream.indirect.gather [hbm4b:s4+s12], $0x80, s7, s12, $0xb8;
	[tilespmem:$0x1D000] =	vst v63  }
0x17a: {  	s8 =	rddreg [dreg:$0xe]  }
0x17b: {  	[spmem:s2] =	stream.indirect.scatter.add.f32 [tilespmem:s13], [sflag:$0x3], $0x80, s8, s12, $0xb8;
	[tilespmem:$0x1D000] =	vst v63  }
0x17c: {  	_ =	swait.ge [sflag:s16], $0x3E80  }
0x17d: {  	[sflag:s16] =	ssyncset.done $0x0  }
0x17e: {  	s9 =	rddreg [dreg:$0xf];
	[sflag:s16] =	ssyncadd.s32 $0xFFFFC180  }
0x17f: {  	[spmem:s2] =	stream.indirect.scatter.add.f32 [tilespmem:s15], [sflag:$0x4], $0x80, s9, s12, $0xb8;
	[tilespmem:$0x1D000] =	vst v63  }
0x180: {  	_ =	swait.ge [sflag:s17], $0x3E80  }
0x181: {  	[sflag:s17] =	ssyncset.done $0x0  }
0x182: {  	s7 =	rddreg [dreg:$0x10];
	[sflag:s17] =	ssyncadd.s32 $0xFFFFC180  }
0x183: {  	[tilespmem:s13], [sflag:$0x1] =	stream.indirect.gather [hbm4b:s4+s12], $0x80, s7, s12, $0xb8;
	[tilespmem:$0x1D000] =	vst v63  }
0x184: {  	_ =	swait.ge [sflag:s18], $0x3E80  }
0x185: {  	[sflag:s18] =	ssyncset.done $0x0  }
0x186: {  	[sflag:s18] =	ssyncadd.s32 $0xFFFFC180  }
0x187: {  	_ =	swait.ge [sflag:s14], $0x3E80  }
0x188: {  	[sflag:s14] =	ssyncset.done $0x0  }
0x189: {  	s8 =	rddreg [dreg:$0x11];
	[sflag:s14] =	ssyncadd.s32 $0xFFFFC180  }
0x18a: {  	[tilespmem:s15], [sflag:$0x2] =	stream.indirect.gather [hbm4b:s4+s12], $0x80, s8, s12, $0xb8;
	[tilespmem:$0x1D000] =	vst v63  }
0x18b: {  	s9 =	rddreg [dreg:$0x12]  }
0x18c: {  	[spmem:s2] =	stream.indirect.scatter.add.f32 [tilespmem:s13], [sflag:$0x3], $0x80, s9, s12, $0xb8;
	[tilespmem:$0x1D000] =	vst v63  }
0x18d: {  	_ =	swait.ge [sflag:s16], $0x3E80  }
0x18e: {  	[sflag:s16] =	ssyncset.done $0x0  }
0x18f: {  	s7 =	rddreg [dreg:$0x13];
	[sflag:s16] =	ssyncadd.s32 $0xFFFFC180  }
0x190: {  	[spmem:s2] =	stream.indirect.scatter.add.f32 [tilespmem:s15], [sflag:$0x4], $0x80, s7, s12, $0xb8;
	[tilespmem:$0x1D000] =	vst v63  }
0x191: {  	_ =	swait.ge [sflag:s17], $0x3E80  }
0x192: {  	[sflag:s17] =	ssyncset.done $0x0  }
0x193: {  	s8 =	rddreg [dreg:$0x14];
	[sflag:s17] =	ssyncadd.s32 $0xFFFFC180  }
0x194: {  	[tilespmem:s13], [sflag:$0x1] =	stream.indirect.gather [hbm4b:s4+s12], $0x80, s8, s12, $0xb8;
	[tilespmem:$0x1D000] =	vst v63  }
0x195: {  	_ =	swait.ge [sflag:s18], $0x3E80  }
0x196: {  	[sflag:s18] =	ssyncset.done $0x0  }
0x197: {  	[sflag:s18] =	ssyncadd.s32 $0xFFFFC180  }
0x198: {  	_ =	swait.ge [sflag:s14], $0x3E80  }
0x199: {  	[sflag:s14] =	ssyncset.done $0x0  }
0x19a: {  	[sflag:s14] =	ssyncadd.s32 $0xFFFFC180  }
0x19b: {  	[tilespmem:s15], [sflag:$0x2] =	stream.indirect.gather [hbm4b:s4+s12], $0x80, s19, s12, $0xb8;
	[tilespmem:$0x1D000] =	vst v63  }
0x19c: {  	_ = 	snop  }
0x19d: {  	[spmem:s2] =	stream.indirect.scatter.add.f32 [tilespmem:s13], [sflag:$0x3], $0x80, s20, s12, $0xb8;
	[tilespmem:$0x1D000] =	vst v63  }
0x19e: {  	_ =	swait.ge [sflag:s16], $0x3E80  }
0x19f: {  	[sflag:s16] =	ssyncset.done $0x0  }
0x1a0: {  	[sflag:s16] =	ssyncadd.s32 $0xFFFFC180  }
0x1a1: {  	[spmem:s2] =	stream.indirect.scatter.add.f32 [tilespmem:s15], [sflag:$0x4], $0x80, s21, s12, $0xb8;
	[tilespmem:$0x1D000] =	vst v63  }
0x1a2: {  	_ =	swait.ge [sflag:s17], $0x3E80  }
0x1a3: {  	[sflag:s17] =	ssyncset.done $0x0  }
0x1a4: {  	[sflag:s17] =	ssyncadd.s32 $0xFFFFC180  }
0x1a5: {  	[tilespmem:s13], [sflag:$0x1] =	stream.indirect.gather [hbm4b:s4+s12], $0x80, s22, s12, $0xb8;
	[tilespmem:$0x1D000] =	vst v63  }
0x1a6: {  	_ =	swait.ge [sflag:s18], $0x3E80  }
0x1a7: {  	[sflag:s18] =	ssyncset.done $0x0  }
0x1a8: {  	[sflag:s18] =	ssyncadd.s32 $0xFFFFC180  }
0x1a9: {  	_ =	swait.ge [sflag:s14], $0x3E80  }
0x1aa: {  	[sflag:s14] =	ssyncset.done $0x0  }
0x1ab: {  	[sflag:s14] =	ssyncadd.s32 $0xFFFFC180  }
0x1ac: {  	[tilespmem:s15], [sflag:$0x2] =	stream.indirect.gather [hbm4b:s4+s12], $0x80, s23, s12, $0xb8;
	[tilespmem:$0x1D000] =	vst v63  }
0x1ad: {  	_ = 	snop  }
0x1ae: {  	[spmem:s2] =	stream.indirect.scatter.add.f32 [tilespmem:s13], [sflag:$0x3], $0x80, s24, s12, $0xb8;
	[tilespmem:$0x1D000] =	vst v63  }
0x1af: {  	_ =	swait.ge [sflag:s16], $0x3E80  }
0x1b0: {  	[sflag:s16] =	ssyncset.done $0x0  }
0x1b1: {  	[sflag:s16] =	ssyncadd.s32 $0xFFFFC180  }
0x1b2: {  	[spmem:s2] =	stream.indirect.scatter.add.f32 [tilespmem:s15], [sflag:$0x4], $0x80, s25, s12, $0xb8;
	[tilespmem:$0x1D000] =	vst v63  }
0x1b3: {  	_ =	swait.ge [sflag:s17], $0x3E80  }
0x1b4: {  	[sflag:s17] =	ssyncset.done $0x0  }
0x1b5: {  	[sflag:s17] =	ssyncadd.s32 $0xFFFFC180  }
0x1b6: {  	[tilespmem:s13], [sflag:$0x1] =	stream.indirect.gather [hbm4b:s4+s12], $0x80, s26, s12, $0xb8;
	[tilespmem:$0x1D000] =	vst v63  }
0x1b7: {  	_ =	swait.ge [sflag:s18], $0x3E80  }
0x1b8: {  	[sflag:s18] =	ssyncset.done $0x0  }
0x1b9: {  	[sflag:s18] =	ssyncadd.s32 $0xFFFFC180  }
0x1ba: {  	_ =	swait.ge [sflag:s14], $0x3E80  }
0x1bb: {  	[sflag:s14] =	ssyncset.done $0x0  }
0x1bc: {  	[sflag:s14] =	ssyncadd.s32 $0xFFFFC180  }
0x1bd: {  	[tilespmem:s15], [sflag:$0x2] =	stream.indirect.gather [hbm4b:s4+s12], $0x80, s28, s12, $0xb8;
	[tilespmem:$0x1D000] =	vst v63  }
0x1be: {  	_ = 	snop  }
0x1bf: {  	[spmem:s2] =	stream.indirect.scatter.add.f32 [tilespmem:s13], [sflag:$0x3], $0x80, s29, s12, $0xb8;
	[tilespmem:$0x1D000] =	vst v63  }
0x1c0: {  	_ =	swait.ge [sflag:s16], $0x3E80  }
0x1c1: {  	[sflag:s16] =	ssyncset.done $0x0  }
0x1c2: {  	[sflag:s16] =	ssyncadd.s32 $0xFFFFC180  }
0x1c3: {  	[spmem:s2] =	stream.indirect.scatter.add.f32 [tilespmem:s15], [sflag:$0x4], $0x80, s30, s12, $0xb8;
	[tilespmem:$0x1D000] =	vst v63  }
0x1c4: {  	_ =	swait.ge [sflag:s17], $0x3E80  }
0x1c5: {  	[sflag:s17] =	ssyncset.done $0x0  }
0x1c6: {  	[sflag:s17] =	ssyncadd.s32 $0xFFFFC180  }
0x1c7: {  	[tilespmem:s13], [sflag:$0x1] =	stream.indirect.gather [hbm4b:s4+s12], $0x80, s31, s12, $0xb8;
	[tilespmem:$0x1D000] =	vst v63  }
0x1c8: {  	_ =	swait.ge [sflag:s18], $0x3E80  }
0x1c9: {  	[sflag:s18] =	ssyncset.done $0x0  }
0x1ca: {  	[sflag:s18] =	ssyncadd.s32 $0xFFFFC180  }
0x1cb: {  	_ =	swait.ge [sflag:s14], $0x3E80  }
0x1cc: {  	[sflag:s14] =	ssyncset.done $0x0  }
0x1cd: {  	[sflag:s14] =	ssyncadd.s32 $0xFFFFC180  }
0x1ce: {  	[tilespmem:s15], [sflag:$0x2] =	stream.indirect.gather [hbm4b:s4+s12], $0x80, s1, s12, $0xb8;
	[tilespmem:$0x1D000] =	vst v63  }
0x1cf: {  	_ = 	snop  }
0x1d0: {  	[spmem:s2] =	stream.indirect.scatter.add.f32 [tilespmem:s13], [sflag:$0x3], $0x80, s0, s12, $0xb8;
	[tilespmem:$0x1D000] =	vst v63  }
0x1d1: {  	_ =	swait.ge [sflag:s16], $0x3E80  }
0x1d2: {  	[sflag:s16] =	ssyncset.done $0x0  }
0x1d3: {  	[sflag:s16] =	ssyncadd.s32 $0xFFFFC180  }
0x1d4: {  	[spmem:s2] =	stream.indirect.scatter.add.f32 [tilespmem:s15], [sflag:$0x4], $0x80, s5, s12, $0xb8;
	[tilespmem:$0x1D000] =	vst v63  }
0x1d5: {  	_ =	swait.ge [sflag:s17], $0x3E80  }
0x1d6: {  	[sflag:s17] =	ssyncset.done $0x0  }
0x1d7: {  	[sflag:s17] =	ssyncadd.s32 $0xFFFFC180  }
0x1d8: {  	_ =	swait.ge [sflag:s18], $0x3E80  }
0x1d9: {  	[sflag:s18] =	ssyncset.done $0x0  }
0x1da: {  	[sflag:s18] =	ssyncadd.s32 $0xFFFFC180  }
0x1db: {  	[bflag:$0x0] =	sbarrier.arrive $0xFFFF  }
0x1dc: {  	s7 =	rddreg [dreg:$0x16]  }
0x1dd: {  	s9 =	rddreg [dreg:$0x17]  }
0x1de: {  	s8 =	rddreg [dreg:$0x19]  }
0x1df: {  	[hbm:s9], [sflag:s7] =	dma.local [spmem:s8], $0x2800  }
0x1e0: {  	_ =	swait.ge [sflag:s10], $0x2800  }
0x1e1: {  	s6 =	rddreg [dreg:$0x1a]  }
0x1e2: {  	s9 =	sadd.s32 $0x1, s6;
	s6 =	rddreg [dreg:$0x18]  }
0x1e3: {  	p0 =	sne.s32 s9, s6  }
.Ltmp1:
0x1e4: {  	_ = 	snop;
	(pc) =	sbr.rel @p0 .LBB2_1-.Ltmp1, $3  }
0x1e5: {  	_ =	sdelay $0x1  }
0x1e6: {  	[sflag:s10] =	ssyncset.done $0x0  }
0x1e7: {  	[sflag:s10] =	ssyncadd.s32 $0xFFFFD800  }
0x1e8: {  	_ =	sfence.sel $0x180000  }
0x1e9: {  	[bflag:$0x0] =	sbarrier.arrive $0xFFFF  }
0x1ea: {  	_ =	strace $0x9000004D  }
0x1eb: {  	s0 =	stileid.u32;
	[bflag:$0x2] =	sbarrier.arrive $0xFFFF  }
0x1ec: {  	p0 =	sne.s32 s0, $0x0;
	s0 =	rddreg [dreg:$0x3]  }
0x1ed: {  	s0 =	sadd.s32 @!p0 $0x100000, s0  }
0x1ee: {  	[sflag:s0] =	ssyncadd.tile.s32 @!p0 $0x1;
	_ =	shalt  }
.Lfunc_end2:
_tile_overlayer_lowered:
.L_overlay_start_2:
0x1ef: {  	(tag) =	ssettag $0x2  }
0x1f0: {  	s0 =	rddreg [dreg:$0x0];
	s2 =	stileid.u32  }
0x1f1: {  	s1 =	rddreg [dreg:$0x1];
	p0 =	sne.s32 s2, $0x0  }
0x1f2: {  	s3 =	rddreg [dreg:$0x2];
	[bflag:$0x3] =	sbarrier.arrive $0xFFFF;
	s2 =	simm.s32 @!p0 $0x1C05  }
0x1f3: {  	[timem:s3], [sflag:s2] =	dma.local @!p0 [hbm:s0], s1  }
0x1f4: {  	s0 =	simm.s32 @!p0 $0x5  }
0x1f5: {  	_ =	swait.ge @!p0 [sflag:s0], s1  }
0x1f6: {  	s1 =	ssub.s32 @!p0 $0x0, s1;
	[sflag:s0] =	ssyncset.done @!p0 $0x0  }
0x1f7: {  	[sflag:s0] =	ssyncadd.s32 @!p0 s1  }
0x1f8: {  	[bflag:$0x3] =	sbarrier.arrive $0xFFFF  }
0x1f9: {  	_ =	shalt  }

// kernel: kernel.7.cloned.1.call-start
scs
__scs_entry_jumppad:
0x0: {  	(pc) =	sbr.rel $0x88, $3  }
0x1: {  	(tag) =	ssettag $0x0;
	lr =	simm.s32 $0x1  }
0x2: {  	[smem:$0x3F9D] =	sst lr;
	_ =	strace $0xD0000000  }
0x3: {  	_ = 	snop  }
0x4: {  	_ = 	snop  }
0x5: {  	_ = 	snop  }
0x6: {  	_ = 	snop  }
0x7: {  	_ = 	snop  }
__scs_overlays_trampoline_lowered:
0x8: {  	[smem:$0x3FAC] =	sst s0  }
0x9: {  	[smem:$0x3FAD] =	sst s1  }
0xa: {  	[smem:$0x3FAE] =	sst s2  }
0xb: {  	[smem:$0x3FAF] =	sst s3  }
0xc: {  	[smem:$0x3FB0] =	sst s4  }
0xd: {  	[smem:$0x3FB1] =	sst s5  }
0xe: {  	[smem:$0x3FB2] =	sst s6  }
0xf: {  	[smem:$0x3FB3] =	sst s7  }
0x10: {  	[smem:$0x3FB4] =	sst s8  }
0x11: {  	[smem:$0x3FB5] =	sst s9;
	s0 =	simm.s32 @!p0 $0x0  }
0x12: {  	s1 =	sld [smem:$0x3F9B];
	s0 =	simm.s32 @p0 $0x1  }
0x13: {  	[smem:$0x3FB6] =	sst s0;
	s0 =	simm.s32 @!p1 $0x0  }
0x14: {  	s2 =	sld [smem:$0x3F9A];
	s0 =	simm.s32 @p1 $0x1  }
0x15: {  	[smem:$0x3FB7] =	sst s0;
	s0 =	simm.s32 @!p2 $0x0  }
0x16: {  	s3 =	sld [smem:$0x3FDB];
	s0 =	simm.s32 @p2 $0x1  }
0x17: {  	s4 =	simm.s32 $0x1BF5;
	[smem:$0x3FB9] =	sst s0  }
0x18: {  	s0 =	sld [smem:$0x3F9C];
	_ =	swait.ge [sflag:s4], $0x0  }
0x19: {  	s7 =	sld [smem:$0x3F9D]  }
0x1a: {  	s8 =	sadd.s32 $0xFFFFE003, lr  }
0x1b: {  	s9 =	sadd.s32 $0xFFFFFEF7, lr;
	s5 =	simm.s32 $0xFFFFFFFF;
	p2 =	slt.u32 s8, $0xFFFFF086  }
0x1c: {  	p1 =	slt.u32 s9, $0xF7A;
	s5 =	simm.s32 @!p2 $0x0  }
0x1d: {  	s5 =	simm.s32 @p1 $0x1;
	p0 =	seq.s32 s7, s2  }
0x1e: {  	s7 =	smul.u32 @!p0 $0xF7A, s2;
	p2 =	seq.s32 @!p0 s5, $0x0  }
0x1f: {  	s9 =	smul.u32 $0xF7A, s1;
	s8 =	simm.s32 @!p0 $0x1BF5;
	p2 =	por !p2, p0  }
0x20: {  	[sflag:s8] =	ssyncset.s32 @!p0 $0xFFFFF086;
	s6 =	sadd.s32 @!p0 s3, s7;
	s7 =	simm.s32 @!p0 $0x108  }
0x21: {  	s3 =	sadd.s32 s3, s9;
	s6 =	sadd.s32 @!p0 $0x88, s6;
	s7 =	simm.s32 @p2 $0x1082  }
0x22: {  	[simem:s7], [sflag:s8] =	dma.local @!p0 [hbm:s6], $0xF7A  }
0x23: {  	s9 =	sor.u32 $0xD0000000, s2;
	s6 =	simm.s32 $0x108;
	_ =	swait.ge @!p0 [sflag:s8], $0x0  }
0x24: {  	s3 =	sadd.s32 $0x88, s3;
	s6 =	simm.s32 @!p1 $0x1082;
	[sflag:s4] =	ssyncset.s32 $0xFFFFF086  }
0x25: {  	[simem:s6], [sflag:s4] =	dma.local [hbm:s3], $0xF7A  }
0x26: {  	[smem:$0x3F9D] =	sst s1;
	(tag) =	ssettag s2;
	_ =	strace s9  }
0x27: {  	s1 =	sld [smem:$0x3FAD]  }
0x28: {  	s2 =	sld [smem:$0x3FAE]  }
0x29: {  	s4 =	sld [smem:$0x3FB0]  }
0x2a: {  	p0 =	seq.s32 s5, $0x0;
	s5 =	sld [smem:$0x3FB1]  }
0x2b: {  	s6 =	sld [smem:$0x3FB2]  }
0x2c: {  	s7 =	sld [smem:$0x3FB3]  }
0x2d: {  	s3 =	simm.s32 $0x108;
	s8 =	sld [smem:$0x3FB4]  }
0x2e: {  	s3 =	simm.s32 @!p0 $0x1082;
	s9 =	sld [smem:$0x3FB5]  }
0x2f: {  	lr =	sadd.s32 s0, s3;
	s0 =	sld [smem:$0x3FAC]  }
0x30: {  	s3 =	sld [smem:$0x3FAF]  }
0x31: {  	[smem:$0x3FB8] =	sst s10  }
0x32: {  	s10 =	sld [smem:$0x3FB6];
	_ =	sdelay $0x3  }
0x33: {  	p0 =	seq.s32 s10, $0x1;
	s10 =	sld [smem:$0x3FB8];
	_ =	sdelay $0x3  }
0x34: {  	[smem:$0x3FB8] =	sst s10  }
0x35: {  	s10 =	sld [smem:$0x3FB7];
	_ =	sdelay $0x3  }
0x36: {  	p1 =	seq.s32 s10, $0x1;
	s10 =	sld [smem:$0x3FB8];
	_ =	sdelay $0x3  }
0x37: {  	[smem:$0x3FB8] =	sst s10  }
0x38: {  	s10 =	sld [smem:$0x3FB9]  }
0x39: {  	_ = 	snop;
	(pc) =	sbr.ind lr, $3  }
0x3a: {  	_ = 	snop  }
0x3b: {  	_ = 	snop  }
0x3c: {  	p2 =	seq.s32 s10, $0x1;
	s10 =	sld [smem:$0x3FB8]  }
0x3d: {  	_ =	shalt  }
0x3e: {  	_ =	shalt  }
0x3f: {  	_ =	shalt  }
0x40: {  	_ =	shalt  }
0x41: {  	_ =	shalt  }
0x42: {  	_ =	shalt  }
0x43: {  	_ =	shalt  }
0x44: {  	_ =	shalt  }
0x45: {  	_ =	shalt  }
0x46: {  	_ =	shalt  }
0x47: {  	_ =	shalt  }
0x48: {  	_ =	shalt  }
0x49: {  	_ =	shalt  }
0x4a: {  	_ =	shalt  }
0x4b: {  	_ =	shalt  }
0x4c: {  	_ =	shalt  }
0x4d: {  	_ =	shalt  }
0x4e: {  	_ =	shalt  }
0x4f: {  	_ =	shalt  }
0x50: {  	_ =	shalt  }
0x51: {  	_ =	shalt  }
0x52: {  	_ =	shalt  }
0x53: {  	_ =	shalt  }
0x54: {  	_ =	shalt  }
0x55: {  	_ =	shalt  }
0x56: {  	_ =	shalt  }
0x57: {  	_ =	shalt  }
0x58: {  	_ =	shalt  }
0x59: {  	_ =	shalt  }
0x5a: {  	_ =	shalt  }
0x5b: {  	_ =	shalt  }
0x5c: {  	_ =	shalt  }
0x5d: {  	_ =	shalt  }
0x5e: {  	_ =	shalt  }
0x5f: {  	_ =	shalt  }
0x60: {  	_ =	shalt  }
0x61: {  	_ =	shalt  }
0x62: {  	_ =	shalt  }
0x63: {  	_ =	shalt  }
0x64: {  	_ =	shalt  }
0x65: {  	_ =	shalt  }
0x66: {  	_ =	shalt  }
0x67: {  	_ =	shalt  }
0x68: {  	_ =	shalt  }
0x69: {  	_ =	shalt  }
0x6a: {  	_ =	shalt  }
0x6b: {  	_ =	shalt  }
0x6c: {  	_ =	shalt  }
0x6d: {  	_ =	shalt  }
0x6e: {  	_ =	shalt  }
0x6f: {  	_ =	shalt  }
0x70: {  	_ =	shalt  }
0x71: {  	_ =	shalt  }
0x72: {  	_ =	shalt  }
0x73: {  	_ =	shalt  }
0x74: {  	_ =	shalt  }
0x75: {  	_ =	shalt  }
0x76: {  	_ =	shalt  }
0x77: {  	_ =	shalt  }
0x78: {  	_ =	shalt  }
0x79: {  	_ =	shalt  }
0x7a: {  	_ =	shalt  }
0x7b: {  	_ =	shalt  }
0x7c: {  	_ =	shalt  }
0x7d: {  	_ =	shalt  }
0x7e: {  	_ =	shalt  }
0x7f: {  	_ =	shalt  }
0x80: {  	_ =	shalt  }
0x81: {  	_ =	shalt  }
0x82: {  	_ =	shalt  }
0x83: {  	_ =	shalt  }
0x84: {  	_ =	shalt  }
0x85: {  	_ =	shalt  }
0x86: {  	_ =	shalt  }
0x87: {  	_ =	shalt  }
.Lfunc_end0:
.L_simem_size_0:
called_computation_lowered:
.L_overlay_start_0:
0x88: {  	s2 =	sld [smem:$0x3FD9]  }
0x89: {  	s3 =	sld [smem:$0x3FFE];
	_ =	sdelay $0x1  }
0x8a: {  	s1 =	srdreg.scid  }
0x8b: {  	s0 =	sand.u32 $0x1, s1  }
0x8c: {  	s16 =	sshll.u32 s0, $0xA;
	s2 =	sadd.s32 s3, s2  }
0x8d: {  	s2 =	sadd.s32 s2, s16  }
0x8e: {  	[smem:$0x3FC4] =	sst s2  }
0x8f: {  	_ = 	snop  }
0x90: {  	(tm) =	ssettm $0x1  }
0x91: {  	s17 =	sld [smem:$0x3FFB];
	_ =	sdelay $0x3  }
0x92: {  	_ =	strace s17  }
0x93: {  	s2 =	sld [smem:$0x3FFC];
	_ =	sdelay $0x3  }
0x94: {  	_ =	strace s2  }
0x95: {  	s2 =	sld [smem:$0x3FFD];
	_ =	sdelay $0x3  }
0x96: {  	_ =	strace s2  }
0x97: {  	_ =	strace $0x8FFFFFFF  }
0x98: {  	s18 =	sld [smem:$0x3FDB];
	_ =	sdelay $0x1  }
0x99: {  	s19 =	simm.s32 $_scs_section_size  }
0x9a: {  	s4 =	simm.s32 $_size__tile_overlayer_lowered;
	s5 =	simm.s32 $_tile_overlayer_lowered  }
0x9b: {  	s22 =	simm.s32 $0x1BFF;
	s21 =	sshll.u32 s5, $0x1;
	s2 =	sadd.s32 s19, s18  }
0x9c: {  	s6 =	simm.s32 $0x0;
	s20 =	sshll.u32 s4, $0x1;
	s4 =	sadd.s32 s21, s2  }
0x9d: {  	[timem:s6], [sflag:s22] =	dma.local [hbm:s4], s20  }
0x9e: {  	_ =	swait.ge [sflag:s22], s20  }
0x9f: {  	s3 =	ssub.s32 $0x0, s20;
	[sflag:s22] =	ssyncset.done $0x0  }
0xa0: {  	[sflag:s22] =	ssyncadd.s32 s3;
	_ =	sdelay $0x1  }
0xa1: {  	s23 =	simm.s32 $0x1B8B  }
0xa2: {  	_ =	swait.ge [sflag:s23], $0x1  }
0xa3: {  	[sflag:s23] =	ssyncset.done $0x0  }
0xa4: {  	s25 =	simm.s32 $0x1B8E;
	s24 =	sld [smem:$0x3FFE];
	[sflag:s23] =	ssyncadd.s32 $0xFFFFFFFF  }
0xa5: {  	s26 =	simm.s32 $execute0_lowered;
	[smem:$0x3FD2] =	sst s25  }
0xa6: {  	s4 =	sshll.u32 s26, $0x1;
	_ =	strace $0x80000046;
	[dreg:$0x1] =	wrdreg $0xFFFFFFFF  }
0xa7: {  	s28 =	simm.s32 $_size_execute0_lowered;
	s2 =	sadd.s32 s2, s4;
	[dreg:$0x0] =	wrdreg $0x0  }
0xa8: {  	s4 =	sshll.u32 s28, $0x1;
	[dreg:$0x2] =	wrdreg s2  }
0xa9: {  	[dreg:$0x3] =	wrdreg s4  }
0xaa: {  	[dreg:$0x4] =	wrdreg $0xC0  }
0xab: {  	_ =	task [dreg:s6], $0x5FFFF  }
0xac: {  	[dreg:$0x1] =	wrdreg $0xFFFFFFFF  }
0xad: {  	[dreg:$0x0] =	wrdreg $0x60  }
0xae: {  	[dreg:$0x2] =	wrdreg s24  }
0xaf: {  	[dreg:$0x3] =	wrdreg $0x9  }
0xb0: {  	_ =	task.clear_ibuf [dreg:s6], $0x4FFFF;
	_ =	strace $0x90000046  }
0xb1: {  	s29 =	simm.s32 $0x9;
	_ =	strace $0x80000048  }
0xb2: {  	_ =	swait.ge [sflag:s29], $0x1  }
0xb3: {  	[sflag:s29] =	ssyncadd.s32 $0xFFFFFFFF  }
0xb4: {  	_ =	strace $0x90000048  }
0xb5: {  	_ =	sfence  }
0xb6: {  	s30 =	sld [smem:$0x0];
	_ =	sdelay $0x2  }
0xb7: {  	s31 =	sshll.u32 s1, $0xD;
	s1 =	sshrl.u32 s1, $0x2  }
0xb8: {  	s3 =	sand.u32 $0x4000, s31;
	s1 =	sadd.s32 s1, s30  }
0xb9: {  	s0 =	sor.u32 s3, s0;
	s1 =	sshll.u32 s1, $0x11  }
0xba: {  	s0 =	sor.u32 s1, s0  }
0xbb: {  	s0 =	sadd.s32 $0x8F2B, s0  }
0xbc: {  	[sflag:s0] =	ssyncadd.remote.s32 $0x1  }
0xbd: {  	_ =	sfence.sel $0xFFFF  }
0xbe: {  	[dreg:$0x0] =	wrdreg $0xFFFFFFFF;
	(pc) =	sbr.abs _section_cstart, $3  }
0xbf: {  	[dreg:$0x1] =	wrdreg $0xFFFFFFFF  }
0xc0: {  	_ =	task.clear_ibuf [dreg:s6], $0x2FFFF;
	_ =	strace $0x9FFFFFFF  }
0xc1: {  	(tm) =	ssettm $0x7FFFFFFF  }
tec
execute0_lowered:
.L_overlay_start_1:
0x0: {  	(tag) =	ssettag $0x1  }
0x1: {  	s0 =	srdreg.scid  }
0x2: {  	s4 =	rddreg [dreg:$0x0];
	s3 =	sand.u32 $0x1, s0  }
0x3: {  	s2 =	simm.s32 $0x0;
	s0 =	stileid.u32;
	s1 =	sshll.u32 s3, $0x4  }
0x4: {  	s8 =	simm.s32 $0x400;
	s9 =	simm.s32 $0x1;
	s1 =	sor.u32 s0, s1  }
0x5: {  	s10 =	simm.s32 $0x2780;
	s11 =	simm.s32 $0x0;
	s5 =	sshrl.u32 s1, $0x3  }
0x6: {  	[smem:$0x7FF] =	sst s2;
	s6 =	sshll.u32 s0, $0x7;
	s7 =	smul.u32 $0x13C00, s5  }
0x7: {  	s30 =	ssub.s32 $0x2, s3;
	s6 =	sand.u32 $0x380, s6;
	s5 =	smul.u32 $0x14000, s5  }
0x8: {  	s3 =	sadd.s32 $0xB400, s4;
	s31 =	sshrl.u32 s30, $0x1;
	s7 =	sor.u32 s6, s7  }
0x9: {  	s1 =	rddreg [dreg:$0x1];
	s5 =	sor.u32 s6, s5;
	s7 =	sshrl.u32 s7, $0x3  }
0xa: {  	_ =	strace $0x80000047;
	s5 =	sshrl.u32 s5, $0x3;
	s29 =	sadd.s32 s7, s4  }
0xb: {  	s5 =	sadd.s32 s5, s4;
	s7 =	ssub.s32 s30, s31;
	s4 =	sadd.s32 $0x1600, s29  }
0xc: {  	v0 =	vimm.f32 $1.000000000e+00;
	s5 =	sadd.s32 $0xBA00, s5;
	s6 =	smax.u32 s7, $0x1;
	s7 =	simm.s32 $0x80  }
.LBB2_1:
0xd: {  	[tilespmem:s2], [sflag:$0x1] =	stream.strided.gather [hbm4b:s4+s7], $0x2780, s8, s7, $0x38;
	[tilespmem:$0x4F80] =	vst v63  }
0xe: {  	_ =	swait.ge [sflag:s9], $0x2780  }
0xf: {  	[sflag:s9] =	ssyncset.done $0x0  }
0x10: {  	[sflag:s9] =	ssyncadd.s32 $0xFFFFD880  }
0x11: {  	[tilespmem:s10], [sflag:$0x1] =	stream.linear.gather [hbm4b:s3+s2], $0x2800, $0x38;
	[tilespmem:$0x4F80] =	vst v63  }
0x12: {  	_ =	swait.ge [sflag:s9], $0x2800  }
0x13: {  	[sflag:s9] =	ssyncset.done $0x0  }
0x14: {  	s13 =	simm.s32 $0x0;
	s12 =	simm.s32 $0x40;
	[sflag:s9] =	ssyncadd.s32 $0xFFFFD800  }
.LBB2_2:
0x15: {  	p0 =	sne.s32 s12, $0x9C00;
	v1 =	vld [tilespmem:s13+$0x0];
	_ =	sdelay $0x3  }
.Ltmp0:
0x16: {  	(pc) =	sbr.rel @p0 .LBB2_2-.Ltmp0, $2  }
0x17: {  	_ =	sdelay $0x2  }
0x18: {  	s13 =	sshra.s32 s12, $0x2;
	s12 =	sadd.s32 $0x40, s12;
	[tilespmem:v1+s10+$0x0] =	vst.idx.add.f32.msk $0xffff, v0  }
0x19: {  	v1 =	vld [tilespmem:s13+$0x0];
	_ =	sdelay $0x5  }
0x1a: {  	s11 =	sadd.s32 $0x1, s11  }
0x1b: {  	p0 =	sne.s32 s11, s6  }
.Ltmp1:
0x1c: {  	[tilespmem:v1+s10+$0x0] =	vst.idx.add.f32.msk $0xffff, v0;
	(pc) =	sbr.rel @p0 .LBB2_1-.Ltmp1, $4  }
0x1d: {  	[hbm4b:s5+s7] =	stream.strided.scatter [tilespmem:s10], [sflag:$0x1], $0x2800, s8, s7, $0x38;
	[tilespmem:$0x4F80] =	vst v63  }
0x1e: {  	_ =	swait.ge [sflag:s9], $0x2800  }
0x1f: {  	[sflag:s9] =	ssyncset.done $0x0  }
0x20: {  	[sflag:s9] =	ssyncadd.s32 $0xFFFFD800  }
0x21: {  	_ =	sfence.sel $0x180000  }
0x22: {  	[bflag:$0x0] =	sbarrier.arrive $0xFFFF  }
0x23: {  	p0 =	sne.s32 s0, $0x0;
	_ =	strace $0x90000047  }
0x24: {  	s0 =	sadd.s32 @!p0 $0x100000, s1;
	[bflag:$0x2] =	sbarrier.arrive $0xFFFF  }
0x25: {  	[sflag:s0] =	ssyncadd.tile.s32 @!p0 $0x1;
	_ =	shalt  }
.Lfunc_end2:
_tile_overlayer_lowered:
.L_overlay_start_2:
0x26: {  	(tag) =	ssettag $0x2  }
0x27: {  	s0 =	rddreg [dreg:$0x0];
	s2 =	stileid.u32  }
0x28: {  	s1 =	rddreg [dreg:$0x1];
	p0 =	sne.s32 s2, $0x0  }
0x29: {  	s3 =	rddreg [dreg:$0x2];
	[bflag:$0x3] =	sbarrier.arrive $0xFFFF;
	s2 =	simm.s32 @!p0 $0x1C01  }
0x2a: {  	[timem:s3], [sflag:s2] =	dma.local @!p0 [hbm:s0], s1  }
0x2b: {  	s0 =	simm.s32 @!p0 $0x1  }
0x2c: {  	_ =	swait.ge @!p0 [sflag:s0], s1  }
0x2d: {  	s1 =	ssub.s32 @!p0 $0x0, s1;
	[sflag:s0] =	ssyncset.done @!p0 $0x0  }
0x2e: {  	[sflag:s0] =	ssyncadd.s32 @!p0 s1  }
0x2f: {  	[bflag:$0x3] =	sbarrier.arrive $0xFFFF  }
0x30: {  	_ =	shalt  }

</sc_bundles>
